<compile_context>
chip_gen: v7x
topology: tpu7x:2x2x1
jax: 0.10.2.dev20260603
libtpu: 0.0.44.dev20260713+nightly
codegen_flags: <defaults>
</compile_context>

<pallas_src>
import functools

import jax
import jax.numpy as jnp
from jax import lax
from jax.experimental import pallas as pl
from jax.experimental.pallas import tpu as pltpu
from jax.experimental.pallas import tpu_sc as plsc

VOCAB = 30522
EMB = 128
HID = 480
B, S = 128, 512
TOKENS = B * S
EPS = 1e-9

_NC, _NS = 2, 16
_NW = _NC * _NS
_ROWS_PER_XFER = 128
_XFERS_PER_W = TOKENS // (_NW * _ROWS_PER_XFER)


def _sc_gather_body(idx_hbm, table_hbm, out_hbm, idx_v, rows_v, sem0, sem1):
    wid = lax.axis_index("s") * _NC + lax.axis_index("c")
    row0 = wid * _XFERS_PER_W
    tok0 = row0 * _ROWS_PER_XFER
    pltpu.sync_copy(idx_hbm.at[pl.ds(row0, _XFERS_PER_W)], idx_v)
    sems = (sem0, sem1)
    copies = [None, None]
    for j in range(_XFERS_PER_W):
        copies[j % 2] = pltpu.async_copy(
            table_hbm.at[idx_v.at[j]], rows_v.at[j % 2], sems[j % 2])
        if j > 0:
            copies[(j - 1) % 2].wait()
            pltpu.sync_copy(
                rows_v.at[(j - 1) % 2],
                out_hbm.at[pl.ds(tok0 + (j - 1) * _ROWS_PER_XFER,
                                 _ROWS_PER_XFER)])
    j = _XFERS_PER_W - 1
    copies[j % 2].wait()
    pltpu.sync_copy(
        rows_v.at[j % 2],
        out_hbm.at[pl.ds(tok0 + j * _ROWS_PER_XFER, _ROWS_PER_XFER)])


@functools.cache
def _sc_gather():
    return pl.kernel(
        _sc_gather_body,
        out_type=jax.ShapeDtypeStruct((TOKENS, EMB), jnp.float32),
        mesh=plsc.VectorSubcoreMesh(
            core_axis_name="c", subcore_axis_name="s",
            num_cores=_NC, num_subcores=_NS),
        scratch_types=[
            pltpu.VMEM((_XFERS_PER_W, _ROWS_PER_XFER), jnp.int32),
            pltpu.VMEM((2, _ROWS_PER_XFER, EMB), jnp.float32),
            pltpu.SemaphoreType.DMA,
            pltpu.SemaphoreType.DMA,
        ],
    )

_SEQ_PER_STEP = 4


def _tc_body(emb_ref, pos_ref, wT_ref, b_ref, g_ref, beta_ref, out_ref):
    wT = wT_ref[...]
    for k in range(_SEQ_PER_STEP):
        x = emb_ref[pl.ds(k * S, S), :] + pos_ref[...]
        h = lax.dot_general(wT, x, (((1,), (1,)), ((), ())),
                            preferred_element_type=jnp.float32)
        h = h + b_ref[...]
        mu = jnp.mean(h, axis=0, keepdims=True)
        d = h - mu
        var = jnp.mean(d * d, axis=0, keepdims=True)
        out_ref[k, :, :] = (d * lax.rsqrt(var + EPS) * g_ref[...]
                            + beta_ref[...])


def _tc_fused(emb, pos, wT, b2, g2, beta2):
    return pl.pallas_call(
        _tc_body,
        grid=(B // _SEQ_PER_STEP,),
        in_specs=[
            pl.BlockSpec((_SEQ_PER_STEP * S, EMB), lambda i: (i, 0)),
            pl.BlockSpec((S, EMB), lambda i: (0, 0)),
            pl.BlockSpec((HID, EMB), lambda i: (0, 0)),
            pl.BlockSpec((HID, 1), lambda i: (0, 0)),
            pl.BlockSpec((HID, 1), lambda i: (0, 0)),
            pl.BlockSpec((HID, 1), lambda i: (0, 0)),
        ],
        out_specs=pl.BlockSpec((_SEQ_PER_STEP, HID, S), lambda i: (i, 0, 0)),
        out_shape=jax.ShapeDtypeStruct((B, HID, S), jnp.float32),
    )(emb, pos, wT, b2, g2, beta2)


@jax.jit
def kernel(input_ids, word_emb, pos_emb, proj_w, proj_b, ln_g, ln_b):
    idx = input_ids.reshape(TOKENS // _ROWS_PER_XFER, _ROWS_PER_XFER)
    gathered = _sc_gather()(idx, word_emb)
    pos = pos_emb[:S]
    out_t = _tc_fused(gathered, pos, proj_w.T,
                      proj_b.reshape(HID, 1), ln_g.reshape(HID, 1),
                      ln_b.reshape(HID, 1))
    return jnp.transpose(out_t, (0, 2, 1))

# --- scband reference (transcript-rebuilt; emitter-appended) ---
"""Pipeline reference for scband-funnel-embeddings-22892175687689 (READ-ONLY COPY).

The authoritative reference and input builder live on the scoring server;
editing this copy changes nothing except your own understanding.
"""

import jax, jax.numpy as jnp
import numpy as np

VOCAB = 30522
EMB = 128
HID = 480  # block_channel_size[0]
MAXPOS = 512 + 7  # max_position_embeddings + num_highway_cls_tokens
EPS = 1e-9
B, S = 128, 512


def setup_inputs(seed: int = 0) -> dict:
    key = jax.random.key(seed)
    k1, k2, k3, k4 = jax.random.split(key, 4)
    input_ids = jax.random.randint(k1, (B, S), 0, VOCAB, dtype=jnp.int32)
    word_emb = jax.random.normal(k2, (VOCAB, EMB), dtype=jnp.float32) * 0.02
    pos_emb = jax.random.normal(k3, (MAXPOS, EMB), dtype=jnp.float32) * 0.02
    proj_w = jax.random.normal(k4, (EMB, HID), dtype=jnp.float32) * 0.02
    proj_b = jnp.zeros((HID,), dtype=jnp.float32)
    ln_g = jnp.ones((HID,), dtype=jnp.float32)
    ln_b = jnp.zeros((HID,), dtype=jnp.float32)
    return {
        "input_ids": input_ids,
        "word_emb": word_emb,
        "pos_emb": pos_emb,
        "proj_w": proj_w,
        "proj_b": proj_b,
        "ln_g": ln_g,
        "ln_b": ln_b,
    }


def reference(input_ids, word_emb, pos_emb, proj_w, proj_b, ln_g, ln_b):
    # FunnelEmbeddings.forward (eval mode; StableDropout is identity in eval):
    # word embedding lookup (gather)
    emb = jnp.take(word_emb, input_ids, axis=0)  # [B, S, EMB]
    # position-biased input: add learned position embeddings
    seq_len = input_ids.shape[1]
    positions = jnp.arange(seq_len, dtype=jnp.int32)
    pos = jnp.take(pos_emb, positions, axis=0)  # [S, EMB]
    emb = emb + pos[None, :, :]
    # embedding_size (128) != block_channel_size[0] (480) -> embedding projection
    h = jnp.einsum("bse,eh->bsh", emb, proj_w) + proj_b
    # LayerNorm(block_channel_size[0], eps=layer_norm_eps)
    mu = jnp.mean(h, axis=-1, keepdims=True)
    var = jnp.mean((h - mu) ** 2, axis=-1, keepdims=True)
    out = (h - mu) / jnp.sqrt(var + EPS) * ln_g + ln_b
    # dropout (p=0.1) is identity in eval
    return out

if __name__ == "__main__":
    import jax
    _d = setup_inputs()
    print(jax.jit(kernel)(*tuple(_d.values())))

</pallas_src>

<mosaic_0001>
#map = affine_map<(d0, d1) -> (0, 0)>
module attributes {stable_mosaic.version = 14 : i64} {
  func.func @_sc_gather_body(%arg0: i32, %arg1: i32, %arg2: memref<512x128xi32, #tpu.memory_space<hbm>>, %arg3: memref<30522x128xf32, #tpu.memory_space<hbm>>, %arg4: memref<65536x128xf32, #tpu.memory_space<hbm>>, %arg5: memref<16x128xi32, #tpu.memory_space<vmem>>, %arg6: memref<2x128x128xf32, #tpu.memory_space<vmem>>, %arg7: memref<!tpu.dma_semaphore, #tpu.memory_space<semaphore_mem>>, %arg8: memref<!tpu.dma_semaphore, #tpu.memory_space<semaphore_mem>>) attributes {dimension_semantics = [#tpu.dimension_semantics<core_parallel>, #tpu.dimension_semantics<subcore_parallel>], iteration_bounds = array<i64: 2, 16>, scalar_prefetch = 0 : i64, scratch_operands = 4 : i64, tpu.core_type = #tpu.core_type<sc_vector_subcore>, window_params = [{transform_indices = #map}, {transform_indices = #map}, {transform_indices = #map}]} {
    %mul3A = arith.constant 2 : i32
    %mul3A_0 = arith.muli %arg1, %mul3A : i32
    %add3A = arith.addi %mul3A_0, %arg0 : i32
    %mul3A_1 = arith.constant 16 : i32
    %mul3A_2 = arith.muli %add3A, %mul3A_1 : i32
    %mul3A_3 = arith.constant 128 : i32
    %mul3A_4 = arith.muli %mul3A_2, %mul3A_3 : i32
    "tpu.region"() ({
      %run_scoped3A_434 = tpu.sem_alloc : memref<!tpu.dma_semaphore, #tpu.memory_space<semaphore_mem>>
      %dma_start3A_435 = arith.constant 0 : i32
      %dma_start3A_436 = tpu.memref_slice %arg2[%mul3A_2, %dma_start3A_435] : memref<512x128xi32, #tpu.memory_space<hbm>> -> memref<16x128xi32, #tpu.memory_space<hbm>>
      %dma_start3A_437 = arith.constant 0 : i32
      %dma_start3A_438 = tpu.memref_slice %arg2[%mul3A_2, %dma_start3A_437] : memref<512x128xi32, #tpu.memory_space<hbm>> -> memref<16x128xi32, #tpu.memory_space<hbm>>
      tpu.enqueue_dma source(%dma_start3A_438 : memref<16x128xi32, #tpu.memory_space<hbm>>) target(%arg5 : memref<16x128xi32, #tpu.memory_space<vmem>>) target_semaphore(%run_scoped3A_434 : memref<!tpu.dma_semaphore, #tpu.memory_space<semaphore_mem>>)
      %dma_wait3A_439 = arith.constant 0 : i32
      %dma_wait3A_440 = tpu.memref_slice %arg2[%mul3A_2, %dma_wait3A_439] : memref<512x128xi32, #tpu.memory_space<hbm>> -> memref<16x128xi32, #tpu.memory_space<hbm>>
      %dma_wait3A_441 = arith.constant 0 : i32
      %dma_wait3A_442 = tpu.memref_slice %arg2[%mul3A_2, %dma_wait3A_441] : memref<512x128xi32, #tpu.memory_space<hbm>> -> memref<16x128xi32, #tpu.memory_space<hbm>>
      tpu.wait_dma2 semaphore(%run_scoped3A_434 : memref<!tpu.dma_semaphore, #tpu.memory_space<semaphore_mem>>) src(%dma_wait3A_442 : memref<16x128xi32, #tpu.memory_space<hbm>>) dst(%arg5 : memref<16x128xi32, #tpu.memory_space<vmem>>)
      tpu.yield
    }) : () -> ()
    %dma_start3A = arith.constant 0 : i32
    %dma_start3A_5 = arith.constant 0 : i32
    %dma_start3A_6 = arith.constant 0 : i32
    %dma_start3A_7 = arith.constant 0 : i32
    %dma_start3A_8 = tpu.memref_slice %arg6[%dma_start3A_5, %dma_start3A_6, %dma_start3A_7] : memref<2x128x128xf32, #tpu.memory_space<vmem>> -> memref<1x128x128xf32, #tpu.memory_space<vmem>>
    %dma_start3A_9 = tpu.memref_squeeze %dma_start3A_8 : memref<1x128x128xf32, #tpu.memory_space<vmem>> -> memref<128x128xf32, #tpu.memory_space<vmem>>
    %dma_start3A_10 = arith.constant 0 : i32
    %dma_start3A_11 = tpu.memref_slice %arg5[%dma_start3A, %dma_start3A_10] : memref<16x128xi32, #tpu.memory_space<vmem>> -> memref<1x128xi32, #tpu.memory_space<vmem>>
    %dma_start3A_12 = tpu.memref_squeeze %dma_start3A_11 : memref<1x128xi32, #tpu.memory_space<vmem>> -> memref<128xi32, #tpu.memory_space<vmem>>
    %dma_start3A_13 = arith.constant 0 : i32
    %dma_start3A_14 = arith.constant 0 : i32
    %dma_start3A_15 = tpu.memref_slice %arg3[%dma_start3A_13, %dma_start3A_14] : memref<30522x128xf32, #tpu.memory_space<hbm>> -> memref<30522x128xf32, #tpu.memory_space<hbm>>
    tpu.enqueue_indirect_dma source(%dma_start3A_15 : memref<30522x128xf32, #tpu.memory_space<hbm>>) target(%dma_start3A_9 : memref<128x128xf32, #tpu.memory_space<vmem>>) offsets(%dma_start3A_12 : memref<128xi32, #tpu.memory_space<vmem>>) semaphore(%arg7 : memref<!tpu.dma_semaphore, #tpu.memory_space<semaphore_mem>>)
    %dma_start3A_16 = arith.constant 1 : i32
    %dma_start3A_17 = arith.constant 1 : i32
    %dma_start3A_18 = arith.constant 0 : i32
    %dma_start3A_19 = arith.constant 0 : i32
    %dma_start3A_20 = tpu.memref_slice %arg6[%dma_start3A_17, %dma_start3A_18, %dma_start3A_19] : memref<2x128x128xf32, #tpu.memory_space<vmem>> -> memref<1x128x128xf32, #tpu.memory_space<vmem>>
    %dma_start3A_21 = tpu.memref_squeeze %dma_start3A_20 : memref<1x128x128xf32, #tpu.memory_space<vmem>> -> memref<128x128xf32, #tpu.memory_space<vmem>>
    %dma_start3A_22 = arith.constant 0 : i32
    %dma_start3A_23 = tpu.memref_slice %arg5[%dma_start3A_16, %dma_start3A_22] : memref<16x128xi32, #tpu.memory_space<vmem>> -> memref<1x128xi32, #tpu.memory_space<vmem>>
    %dma_start3A_24 = tpu.memref_squeeze %dma_start3A_23 : memref<1x128xi32, #tpu.memory_space<vmem>> -> memref<128xi32, #tpu.memory_space<vmem>>
    %dma_start3A_25 = arith.constant 0 : i32
    %dma_start3A_26 = arith.constant 0 : i32
    %dma_start3A_27 = tpu.memref_slice %arg3[%dma_start3A_25, %dma_start3A_26] : memref<30522x128xf32, #tpu.memory_space<hbm>> -> memref<30522x128xf32, #tpu.memory_space<hbm>>
    tpu.enqueue_indirect_dma source(%dma_start3A_27 : memref<30522x128xf32, #tpu.memory_space<hbm>>) target(%dma_start3A_21 : memref<128x128xf32, #tpu.memory_space<vmem>>) offsets(%dma_start3A_24 : memref<128xi32, #tpu.memory_space<vmem>>) semaphore(%arg8 : memref<!tpu.dma_semaphore, #tpu.memory_space<semaphore_mem>>)
    %dma_wait3A = arith.constant 0 : i32
    %dma_wait3A_28 = arith.constant 0 : i32
    %dma_wait3A_29 = arith.constant 0 : i32
    %dma_wait3A_30 = arith.constant 0 : i32
    %dma_wait3A_31 = tpu.memref_slice %arg6[%dma_wait3A_28, %dma_wait3A_29, %dma_wait3A_30] : memref<2x128x128xf32, #tpu.memory_space<vmem>> -> memref<1x128x128xf32, #tpu.memory_space<vmem>>
    %dma_wait3A_32 = tpu.memref_squeeze %dma_wait3A_31 : memref<1x128x128xf32, #tpu.memory_space<vmem>> -> memref<128x128xf32, #tpu.memory_space<vmem>>
    %dma_wait3A_33 = arith.constant 0 : i32
    %dma_wait3A_34 = tpu.memref_slice %arg5[%dma_wait3A, %dma_wait3A_33] : memref<16x128xi32, #tpu.memory_space<vmem>> -> memref<1x128xi32, #tpu.memory_space<vmem>>
    %dma_wait3A_35 = tpu.memref_squeeze %dma_wait3A_34 : memref<1x128xi32, #tpu.memory_space<vmem>> -> memref<128xi32, #tpu.memory_space<vmem>>
    %dma_wait3A_36 = arith.constant 0 : i32
    %dma_wait3A_37 = arith.constant 0 : i32
    %dma_wait3A_38 = tpu.memref_slice %arg3[%dma_wait3A_36, %dma_wait3A_37] : memref<30522x128xf32, #tpu.memory_space<hbm>> -> memref<30522x128xf32, #tpu.memory_space<hbm>>
    tpu.wait_indirect_dma semaphore(%arg7 : memref<!tpu.dma_semaphore, #tpu.memory_space<semaphore_mem>>) src(%dma_wait3A_38 : memref<30522x128xf32, #tpu.memory_space<hbm>>) dst(%dma_wait3A_32 : memref<128x128xf32, #tpu.memory_space<vmem>>)
    %add3A_39 = arith.constant 0 : i32
    %add3A_40 = arith.addi %mul3A_4, %add3A_39 : i32
    %run_scoped3A = arith.constant 0 : i32
    "tpu.region"() ({
      %run_scoped3A_434 = tpu.sem_alloc : memref<!tpu.dma_semaphore, #tpu.memory_space<semaphore_mem>>
      %dma_start3A_435 = arith.constant 0 : i32
      %dma_start3A_436 = arith.constant 0 : i32
      %dma_start3A_437 = tpu.memref_slice %arg6[%run_scoped3A, %dma_start3A_435, %dma_start3A_436] : memref<2x128x128xf32, #tpu.memory_space<vmem>> -> memref<1x128x128xf32, #tpu.memory_space<vmem>>
      %dma_start3A_438 = tpu.memref_squeeze %dma_start3A_437 : memref<1x128x128xf32, #tpu.memory_space<vmem>> -> memref<128x128xf32, #tpu.memory_space<vmem>>
      %dma_start3A_439 = arith.constant 0 : i32
      %dma_start3A_440 = tpu.memref_slice %arg4[%add3A_40, %dma_start3A_439] : memref<65536x128xf32, #tpu.memory_space<hbm>> -> memref<128x128xf32, #tpu.memory_space<hbm>>
      %dma_start3A_441 = arith.constant 0 : i32
      %dma_start3A_442 = tpu.memref_slice %arg4[%add3A_40, %dma_start3A_441] : memref<65536x128xf32, #tpu.memory_space<hbm>> -> memref<128x128xf32, #tpu.memory_space<hbm>>
      %dma_start3A_443 = arith.constant 0 : i32
      %dma_start3A_444 = arith.constant 0 : i32
      %dma_start3A_445 = tpu.memref_slice %arg6[%run_scoped3A, %dma_start3A_443, %dma_start3A_444] : memref<2x128x128xf32, #tpu.memory_space<vmem>> -> memref<1x128x128xf32, #tpu.memory_space<vmem>>
      %dma_start3A_446 = tpu.memref_squeeze %dma_start3A_445 : memref<1x128x128xf32, #tpu.memory_space<vmem>> -> memref<128x128xf32, #tpu.memory_space<vmem>>
      tpu.enqueue_dma source(%dma_start3A_446 : memref<128x128xf32, #tpu.memory_space<vmem>>) target(%dma_start3A_442 : memref<128x128xf32, #tpu.memory_space<hbm>>) target_semaphore(%run_scoped3A_434 : memref<!tpu.dma_semaphore, #tpu.memory_space<semaphore_mem>>)
      %dma_wait3A_447 = arith.constant 0 : i32
      %dma_wait3A_448 = arith.constant 0 : i32
      %dma_wait3A_449 = tpu.memref_slice %arg6[%run_scoped3A, %dma_wait3A_447, %dma_wait3A_448] : memref<2x128x128xf32, #tpu.memory_space<vmem>> -> memref<1x128x128xf32, #tpu.memory_space<vmem>>
      %dma_wait3A_450 = tpu.memref_squeeze %dma_wait3A_449 : memref<1x128x128xf32, #tpu.memory_space<vmem>> -> memref<128x128xf32, #tpu.memory_space<vmem>>
      %dma_wait3A_451 = arith.constant 0 : i32
      %dma_wait3A_452 = tpu.memref_slice %arg4[%add3A_40, %dma_wait3A_451] : memref<65536x128xf32, #tpu.memory_space<hbm>> -> memref<128x128xf32, #tpu.memory_space<hbm>>
      %dma_wait3A_453 = arith.constant 0 : i32
      %dma_wait3A_454 = tpu.memref_slice %arg4[%add3A_40, %dma_wait3A_453] : memref<65536x128xf32, #tpu.memory_space<hbm>> -> memref<128x128xf32, #tpu.memory_space<hbm>>
      %dma_wait3A_455 = arith.constant 0 : i32
      %dma_wait3A_456 = arith.constant 0 : i32
      %dma_wait3A_457 = tpu.memref_slice %arg6[%run_scoped3A, %dma_wait3A_455, %dma_wait3A_456] : memref<2x128x128xf32, #tpu.memory_space<vmem>> -> memref<1x128x128xf32, #tpu.memory_space<vmem>>
      %dma_wait3A_458 = tpu.memref_squeeze %dma_wait3A_457 : memref<1x128x128xf32, #tpu.memory_space<vmem>> -> memref<128x128xf32, #tpu.memory_space<vmem>>
      tpu.wait_dma2 semaphore(%run_scoped3A_434 : memref<!tpu.dma_semaphore, #tpu.memory_space<semaphore_mem>>) src(%dma_wait3A_458 : memref<128x128xf32, #tpu.memory_space<vmem>>) dst(%dma_wait3A_454 : memref<128x128xf32, #tpu.memory_space<hbm>>)
      tpu.yield
    }) : () -> ()
    %dma_start3A_41 = arith.constant 2 : i32
    %dma_start3A_42 = arith.constant 0 : i32
    %dma_start3A_43 = arith.constant 0 : i32
    %dma_start3A_44 = arith.constant 0 : i32
    %dma_start3A_45 = tpu.memref_slice %arg6[%dma_start3A_42, %dma_start3A_43, %dma_start3A_44] : memref<2x128x128xf32, #tpu.memory_space<vmem>> -> memref<1x128x128xf32, #tpu.memory_space<vmem>>
    %dma_start3A_46 = tpu.memref_squeeze %dma_start3A_45 : memref<1x128x128xf32, #tpu.memory_space<vmem>> -> memref<128x128xf32, #tpu.memory_space<vmem>>
    %dma_start3A_47 = arith.constant 0 : i32
    %dma_start3A_48 = tpu.memref_slice %arg5[%dma_start3A_41, %dma_start3A_47] : memref<16x128xi32, #tpu.memory_space<vmem>> -> memref<1x128xi32, #tpu.memory_space<vmem>>
    %dma_start3A_49 = tpu.memref_squeeze %dma_start3A_48 : memref<1x128xi32, #tpu.memory_space<vmem>> -> memref<128xi32, #tpu.memory_space<vmem>>
    %dma_start3A_50 = arith.constant 0 : i32
    %dma_start3A_51 = arith.constant 0 : i32
    %dma_start3A_52 = tpu.memref_slice %arg3[%dma_start3A_50, %dma_start3A_51] : memref<30522x128xf32, #tpu.memory_space<hbm>> -> memref<30522x128xf32, #tpu.memory_space<hbm>>
    tpu.enqueue_indirect_dma source(%dma_start3A_52 : memref<30522x128xf32, #tpu.memory_space<hbm>>) target(%dma_start3A_46 : memref<128x128xf32, #tpu.memory_space<vmem>>) offsets(%dma_start3A_49 : memref<128xi32, #tpu.memory_space<vmem>>) semaphore(%arg7 : memref<!tpu.dma_semaphore, #tpu.memory_space<semaphore_mem>>)
    %dma_wait3A_53 = arith.constant 1 : i32
    %dma_wait3A_54 = arith.constant 1 : i32
    %dma_wait3A_55 = arith.constant 0 : i32
    %dma_wait3A_56 = arith.constant 0 : i32
    %dma_wait3A_57 = tpu.memref_slice %arg6[%dma_wait3A_54, %dma_wait3A_55, %dma_wait3A_56] : memref<2x128x128xf32, #tpu.memory_space<vmem>> -> memref<1x128x128xf32, #tpu.memory_space<vmem>>
    %dma_wait3A_58 = tpu.memref_squeeze %dma_wait3A_57 : memref<1x128x128xf32, #tpu.memory_space<vmem>> -> memref<128x128xf32, #tpu.memory_space<vmem>>
    %dma_wait3A_59 = arith.constant 0 : i32
    %dma_wait3A_60 = tpu.memref_slice %arg5[%dma_wait3A_53, %dma_wait3A_59] : memref<16x128xi32, #tpu.memory_space<vmem>> -> memref<1x128xi32, #tpu.memory_space<vmem>>
    %dma_wait3A_61 = tpu.memref_squeeze %dma_wait3A_60 : memref<1x128xi32, #tpu.memory_space<vmem>> -> memref<128xi32, #tpu.memory_space<vmem>>
    %dma_wait3A_62 = arith.constant 0 : i32
    %dma_wait3A_63 = arith.constant 0 : i32
    %dma_wait3A_64 = tpu.memref_slice %arg3[%dma_wait3A_62, %dma_wait3A_63] : memref<30522x128xf32, #tpu.memory_space<hbm>> -> memref<30522x128xf32, #tpu.memory_space<hbm>>
    tpu.wait_indirect_dma semaphore(%arg8 : memref<!tpu.dma_semaphore, #tpu.memory_space<semaphore_mem>>) src(%dma_wait3A_64 : memref<30522x128xf32, #tpu.memory_space<hbm>>) dst(%dma_wait3A_58 : memref<128x128xf32, #tpu.memory_space<vmem>>)
    %add3A_65 = arith.constant 128 : i32
    %add3A_66 = arith.addi %mul3A_4, %add3A_65 : i32
    %run_scoped3A_67 = arith.constant 1 : i32
    "tpu.region"() ({
      %run_scoped3A_434 = tpu.sem_alloc : memref<!tpu.dma_semaphore, #tpu.memory_space<semaphore_mem>>
      %dma_start3A_435 = arith.constant 0 : i32
      %dma_start3A_436 = arith.constant 0 : i32
      %dma_start3A_437 = tpu.memref_slice %arg6[%run_scoped3A_67, %dma_start3A_435, %dma_start3A_436] : memref<2x128x128xf32, #tpu.memory_space<vmem>> -> memref<1x128x128xf32, #tpu.memory_space<vmem>>
      %dma_start3A_438 = tpu.memref_squeeze %dma_start3A_437 : memref<1x128x128xf32, #tpu.memory_space<vmem>> -> memref<128x128xf32, #tpu.memory_space<vmem>>
      %dma_start3A_439 = arith.constant 0 : i32
      %dma_start3A_440 = tpu.memref_slice %arg4[%add3A_66, %dma_start3A_439] : memref<65536x128xf32, #tpu.memory_space<hbm>> -> memref<128x128xf32, #tpu.memory_space<hbm>>
      %dma_start3A_441 = arith.constant 0 : i32
      %dma_start3A_442 = tpu.memref_slice %arg4[%add3A_66, %dma_start3A_441] : memref<65536x128xf32, #tpu.memory_space<hbm>> -> memref<128x128xf32, #tpu.memory_space<hbm>>
      %dma_start3A_443 = arith.constant 0 : i32
      %dma_start3A_444 = arith.constant 0 : i32
      %dma_start3A_445 = tpu.memref_slice %arg6[%run_scoped3A_67, %dma_start3A_443, %dma_start3A_444] : memref<2x128x128xf32, #tpu.memory_space<vmem>> -> memref<1x128x128xf32, #tpu.memory_space<vmem>>
      %dma_start3A_446 = tpu.memref_squeeze %dma_start3A_445 : memref<1x128x128xf32, #tpu.memory_space<vmem>> -> memref<128x128xf32, #tpu.memory_space<vmem>>
      tpu.enqueue_dma source(%dma_start3A_446 : memref<128x128xf32, #tpu.memory_space<vmem>>) target(%dma_start3A_442 : memref<128x128xf32, #tpu.memory_space<hbm>>) target_semaphore(%run_scoped3A_434 : memref<!tpu.dma_semaphore, #tpu.memory_space<semaphore_mem>>)
      %dma_wait3A_447 = arith.constant 0 : i32
      %dma_wait3A_448 = arith.constant 0 : i32
      %dma_wait3A_449 = tpu.memref_slice %arg6[%run_scoped3A_67, %dma_wait3A_447, %dma_wait3A_448] : memref<2x128x128xf32, #tpu.memory_space<vmem>> -> memref<1x128x128xf32, #tpu.memory_space<vmem>>
      %dma_wait3A_450 = tpu.memref_squeeze %dma_wait3A_449 : memref<1x128x128xf32, #tpu.memory_space<vmem>> -> memref<128x128xf32, #tpu.memory_space<vmem>>
      %dma_wait3A_451 = arith.constant 0 : i32
      %dma_wait3A_452 = tpu.memref_slice %arg4[%add3A_66, %dma_wait3A_451] : memref<65536x128xf32, #tpu.memory_space<hbm>> -> memref<128x128xf32, #tpu.memory_space<hbm>>
      %dma_wait3A_453 = arith.constant 0 : i32
      %dma_wait3A_454 = tpu.memref_slice %arg4[%add3A_66, %dma_wait3A_453] : memref<65536x128xf32, #tpu.memory_space<hbm>> -> memref<128x128xf32, #tpu.memory_space<hbm>>
      %dma_wait3A_455 = arith.constant 0 : i32
      %dma_wait3A_456 = arith.constant 0 : i32
      %dma_wait3A_457 = tpu.memref_slice %arg6[%run_scoped3A_67, %dma_wait3A_455, %dma_wait3A_456] : memref<2x128x128xf32, #tpu.memory_space<vmem>> -> memref<1x128x128xf32, #tpu.memory_space<vmem>>
      %dma_wait3A_458 = tpu.memref_squeeze %dma_wait3A_457 : memref<1x128x128xf32, #tpu.memory_space<vmem>> -> memref<128x128xf32, #tpu.memory_space<vmem>>
      tpu.wait_dma2 semaphore(%run_scoped3A_434 : memref<!tpu.dma_semaphore, #tpu.memory_space<semaphore_mem>>) src(%dma_wait3A_458 : memref<128x128xf32, #tpu.memory_space<vmem>>) dst(%dma_wait3A_454 : memref<128x128xf32, #tpu.memory_space<hbm>>)
      tpu.yield
    }) : () -> ()
    %dma_start3A_68 = arith.constant 3 : i32
    %dma_start3A_69 = arith.constant 1 : i32
    %dma_start3A_70 = arith.constant 0 : i32
    %dma_start3A_71 = arith.constant 0 : i32
    %dma_start3A_72 = tpu.memref_slice %arg6[%dma_start3A_69, %dma_start3A_70, %dma_start3A_71] : memref<2x128x128xf32, #tpu.memory_space<vmem>> -> memref<1x128x128xf32, #tpu.memory_space<vmem>>
    %dma_start3A_73 = tpu.memref_squeeze %dma_start3A_72 : memref<1x128x128xf32, #tpu.memory_space<vmem>> -> memref<128x128xf32, #tpu.memory_space<vmem>>
    %dma_start3A_74 = arith.constant 0 : i32
    %dma_start3A_75 = tpu.memref_slice %arg5[%dma_start3A_68, %dma_start3A_74] : memref<16x128xi32, #tpu.memory_space<vmem>> -> memref<1x128xi32, #tpu.memory_space<vmem>>
    %dma_start3A_76 = tpu.memref_squeeze %dma_start3A_75 : memref<1x128xi32, #tpu.memory_space<vmem>> -> memref<128xi32, #tpu.memory_space<vmem>>
    %dma_start3A_77 = arith.constant 0 : i32
    %dma_start3A_78 = arith.constant 0 : i32
    %dma_start3A_79 = tpu.memref_slice %arg3[%dma_start3A_77, %dma_start3A_78] : memref<30522x128xf32, #tpu.memory_space<hbm>> -> memref<30522x128xf32, #tpu.memory_space<hbm>>
    tpu.enqueue_indirect_dma source(%dma_start3A_79 : memref<30522x128xf32, #tpu.memory_space<hbm>>) target(%dma_start3A_73 : memref<128x128xf32, #tpu.memory_space<vmem>>) offsets(%dma_start3A_76 : memref<128xi32, #tpu.memory_space<vmem>>) semaphore(%arg8 : memref<!tpu.dma_semaphore, #tpu.memory_space<semaphore_mem>>)
    %dma_wait3A_80 = arith.constant 2 : i32
    %dma_wait3A_81 = arith.constant 0 : i32
    %dma_wait3A_82 = arith.constant 0 : i32
    %dma_wait3A_83 = arith.constant 0 : i32
    %dma_wait3A_84 = tpu.memref_slice %arg6[%dma_wait3A_81, %dma_wait3A_82, %dma_wait3A_83] : memref<2x128x128xf32, #tpu.memory_space<vmem>> -> memref<1x128x128xf32, #tpu.memory_space<vmem>>
    %dma_wait3A_85 = tpu.memref_squeeze %dma_wait3A_84 : memref<1x128x128xf32, #tpu.memory_space<vmem>> -> memref<128x128xf32, #tpu.memory_space<vmem>>
    %dma_wait3A_86 = arith.constant 0 : i32
    %dma_wait3A_87 = tpu.memref_slice %arg5[%dma_wait3A_80, %dma_wait3A_86] : memref<16x128xi32, #tpu.memory_space<vmem>> -> memref<1x128xi32, #tpu.memory_space<vmem>>
    %dma_wait3A_88 = tpu.memref_squeeze %dma_wait3A_87 : memref<1x128xi32, #tpu.memory_space<vmem>> -> memref<128xi32, #tpu.memory_space<vmem>>
    %dma_wait3A_89 = arith.constant 0 : i32
    %dma_wait3A_90 = arith.constant 0 : i32
    %dma_wait3A_91 = tpu.memref_slice %arg3[%dma_wait3A_89, %dma_wait3A_90] : memref<30522x128xf32, #tpu.memory_space<hbm>> -> memref<30522x128xf32, #tpu.memory_space<hbm>>
    tpu.wait_indirect_dma semaphore(%arg7 : memref<!tpu.dma_semaphore, #tpu.memory_space<semaphore_mem>>) src(%dma_wait3A_91 : memref<30522x128xf32, #tpu.memory_space<hbm>>) dst(%dma_wait3A_85 : memref<128x128xf32, #tpu.memory_space<vmem>>)
    %add3A_92 = arith.constant 256 : i32
    %add3A_93 = arith.addi %mul3A_4, %add3A_92 : i32
    %run_scoped3A_94 = arith.constant 0 : i32
    "tpu.region"() ({
      %run_scoped3A_434 = tpu.sem_alloc : memref<!tpu.dma_semaphore, #tpu.memory_space<semaphore_mem>>
      %dma_start3A_435 = arith.constant 0 : i32
      %dma_start3A_436 = arith.constant 0 : i32
      %dma_start3A_437 = tpu.memref_slice %arg6[%run_scoped3A_94, %dma_start3A_435, %dma_start3A_436] : memref<2x128x128xf32, #tpu.memory_space<vmem>> -> memref<1x128x128xf32, #tpu.memory_space<vmem>>
      %dma_start3A_438 = tpu.memref_squeeze %dma_start3A_437 : memref<1x128x128xf32, #tpu.memory_space<vmem>> -> memref<128x128xf32, #tpu.memory_space<vmem>>
      %dma_start3A_439 = arith.constant 0 : i32
      %dma_start3A_440 = tpu.memref_slice %arg4[%add3A_93, %dma_start3A_439] : memref<65536x128xf32, #tpu.memory_space<hbm>> -> memref<128x128xf32, #tpu.memory_space<hbm>>
      %dma_start3A_441 = arith.constant 0 : i32
      %dma_start3A_442 = tpu.memref_slice %arg4[%add3A_93, %dma_start3A_441] : memref<65536x128xf32, #tpu.memory_space<hbm>> -> memref<128x128xf32, #tpu.memory_space<hbm>>
      %dma_start3A_443 = arith.constant 0 : i32
      %dma_start3A_444 = arith.constant 0 : i32
      %dma_start3A_445 = tpu.memref_slice %arg6[%run_scoped3A_94, %dma_start3A_443, %dma_start3A_444] : memref<2x128x128xf32, #tpu.memory_space<vmem>> -> memref<1x128x128xf32, #tpu.memory_space<vmem>>
      %dma_start3A_446 = tpu.memref_squeeze %dma_start3A_445 : memref<1x128x128xf32, #tpu.memory_space<vmem>> -> memref<128x128xf32, #tpu.memory_space<vmem>>
      tpu.enqueue_dma source(%dma_start3A_446 : memref<128x128xf32, #tpu.memory_space<vmem>>) target(%dma_start3A_442 : memref<128x128xf32, #tpu.memory_space<hbm>>) target_semaphore(%run_scoped3A_434 : memref<!tpu.dma_semaphore, #tpu.memory_space<semaphore_mem>>)
      %dma_wait3A_447 = arith.constant 0 : i32
      %dma_wait3A_448 = arith.constant 0 : i32
      %dma_wait3A_449 = tpu.memref_slice %arg6[%run_scoped3A_94, %dma_wait3A_447, %dma_wait3A_448] : memref<2x128x128xf32, #tpu.memory_space<vmem>> -> memref<1x128x128xf32, #tpu.memory_space<vmem>>
      %dma_wait3A_450 = tpu.memref_squeeze %dma_wait3A_449 : memref<1x128x128xf32, #tpu.memory_space<vmem>> -> memref<128x128xf32, #tpu.memory_space<vmem>>
      %dma_wait3A_451 = arith.constant 0 : i32
      %dma_wait3A_452 = tpu.memref_slice %arg4[%add3A_93, %dma_wait3A_451] : memref<65536x128xf32, #tpu.memory_space<hbm>> -> memref<128x128xf32, #tpu.memory_space<hbm>>
      %dma_wait3A_453 = arith.constant 0 : i32
      %dma_wait3A_454 = tpu.memref_slice %arg4[%add3A_93, %dma_wait3A_453] : memref<65536x128xf32, #tpu.memory_space<hbm>> -> memref<128x128xf32, #tpu.memory_space<hbm>>
      %dma_wait3A_455 = arith.constant 0 : i32
      %dma_wait3A_456 = arith.constant 0 : i32
      %dma_wait3A_457 = tpu.memref_slice %arg6[%run_scoped3A_94, %dma_wait3A_455, %dma_wait3A_456] : memref<2x128x128xf32, #tpu.memory_space<vmem>> -> memref<1x128x128xf32, #tpu.memory_space<vmem>>
      %dma_wait3A_458 = tpu.memref_squeeze %dma_wait3A_457 : memref<1x128x128xf32, #tpu.memory_space<vmem>> -> memref<128x128xf32, #tpu.memory_space<vmem>>
      tpu.wait_dma2 semaphore(%run_scoped3A_434 : memref<!tpu.dma_semaphore, #tpu.memory_space<semaphore_mem>>) src(%dma_wait3A_458 : memref<128x128xf32, #tpu.memory_space<vmem>>) dst(%dma_wait3A_454 : memref<128x128xf32, #tpu.memory_space<hbm>>)
      tpu.yield
    }) : () -> ()
    %dma_start3A_95 = arith.constant 4 : i32
    %dma_start3A_96 = arith.constant 0 : i32
    %dma_start3A_97 = arith.constant 0 : i32
    %dma_start3A_98 = arith.constant 0 : i32
    %dma_start3A_99 = tpu.memref_slice %arg6[%dma_start3A_96, %dma_start3A_97, %dma_start3A_98] : memref<2x128x128xf32, #tpu.memory_space<vmem>> -> memref<1x128x128xf32, #tpu.memory_space<vmem>>
    %dma_start3A_100 = tpu.memref_squeeze %dma_start3A_99 : memref<1x128x128xf32, #tpu.memory_space<vmem>> -> memref<128x128xf32, #tpu.memory_space<vmem>>
    %dma_start3A_101 = arith.constant 0 : i32
    %dma_start3A_102 = tpu.memref_slice %arg5[%dma_start3A_95, %dma_start3A_101] : memref<16x128xi32, #tpu.memory_space<vmem>> -> memref<1x128xi32, #tpu.memory_space<vmem>>
    %dma_start3A_103 = tpu.memref_squeeze %dma_start3A_102 : memref<1x128xi32, #tpu.memory_space<vmem>> -> memref<128xi32, #tpu.memory_space<vmem>>
    %dma_start3A_104 = arith.constant 0 : i32
    %dma_start3A_105 = arith.constant 0 : i32
    %dma_start3A_106 = tpu.memref_slice %arg3[%dma_start3A_104, %dma_start3A_105] : memref<30522x128xf32, #tpu.memory_space<hbm>> -> memref<30522x128xf32, #tpu.memory_space<hbm>>
    tpu.enqueue_indirect_dma source(%dma_start3A_106 : memref<30522x128xf32, #tpu.memory_space<hbm>>) target(%dma_start3A_100 : memref<128x128xf32, #tpu.memory_space<vmem>>) offsets(%dma_start3A_103 : memref<128xi32, #tpu.memory_space<vmem>>) semaphore(%arg7 : memref<!tpu.dma_semaphore, #tpu.memory_space<semaphore_mem>>)
    %dma_wait3A_107 = arith.constant 3 : i32
    %dma_wait3A_108 = arith.constant 1 : i32
    %dma_wait3A_109 = arith.constant 0 : i32
    %dma_wait3A_110 = arith.constant 0 : i32
    %dma_wait3A_111 = tpu.memref_slice %arg6[%dma_wait3A_108, %dma_wait3A_109, %dma_wait3A_110] : memref<2x128x128xf32, #tpu.memory_space<vmem>> -> memref<1x128x128xf32, #tpu.memory_space<vmem>>
    %dma_wait3A_112 = tpu.memref_squeeze %dma_wait3A_111 : memref<1x128x128xf32, #tpu.memory_space<vmem>> -> memref<128x128xf32, #tpu.memory_space<vmem>>
    %dma_wait3A_113 = arith.constant 0 : i32
    %dma_wait3A_114 = tpu.memref_slice %arg5[%dma_wait3A_107, %dma_wait3A_113] : memref<16x128xi32, #tpu.memory_space<vmem>> -> memref<1x128xi32, #tpu.memory_space<vmem>>
    %dma_wait3A_115 = tpu.memref_squeeze %dma_wait3A_114 : memref<1x128xi32, #tpu.memory_space<vmem>> -> memref<128xi32, #tpu.memory_space<vmem>>
    %dma_wait3A_116 = arith.constant 0 : i32
    %dma_wait3A_117 = arith.constant 0 : i32
    %dma_wait3A_118 = tpu.memref_slice %arg3[%dma_wait3A_116, %dma_wait3A_117] : memref<30522x128xf32, #tpu.memory_space<hbm>> -> memref<30522x128xf32, #tpu.memory_space<hbm>>
    tpu.wait_indirect_dma semaphore(%arg8 : memref<!tpu.dma_semaphore, #tpu.memory_space<semaphore_mem>>) src(%dma_wait3A_118 : memref<30522x128xf32, #tpu.memory_space<hbm>>) dst(%dma_wait3A_112 : memref<128x128xf32, #tpu.memory_space<vmem>>)
    %add3A_119 = arith.constant 384 : i32
    %add3A_120 = arith.addi %mul3A_4, %add3A_119 : i32
    %run_scoped3A_121 = arith.constant 1 : i32
    "tpu.region"() ({
      %run_scoped3A_434 = tpu.sem_alloc : memref<!tpu.dma_semaphore, #tpu.memory_space<semaphore_mem>>
      %dma_start3A_435 = arith.constant 0 : i32
      %dma_start3A_436 = arith.constant 0 : i32
      %dma_start3A_437 = tpu.memref_slice %arg6[%run_scoped3A_121, %dma_start3A_435, %dma_start3A_436] : memref<2x128x128xf32, #tpu.memory_space<vmem>> -> memref<1x128x128xf32, #tpu.memory_space<vmem>>
      %dma_start3A_438 = tpu.memref_squeeze %dma_start3A_437 : memref<1x128x128xf32, #tpu.memory_space<vmem>> -> memref<128x128xf32, #tpu.memory_space<vmem>>
      %dma_start3A_439 = arith.constant 0 : i32
      %dma_start3A_440 = tpu.memref_slice %arg4[%add3A_120, %dma_start3A_439] : memref<65536x128xf32, #tpu.memory_space<hbm>> -> memref<128x128xf32, #tpu.memory_space<hbm>>
      %dma_start3A_441 = arith.constant 0 : i32
      %dma_start3A_442 = tpu.memref_slice %arg4[%add3A_120, %dma_start3A_441] : memref<65536x128xf32, #tpu.memory_space<hbm>> -> memref<128x128xf32, #tpu.memory_space<hbm>>
      %dma_start3A_443 = arith.constant 0 : i32
      %dma_start3A_444 = arith.constant 0 : i32
      %dma_start3A_445 = tpu.memref_slice %arg6[%run_scoped3A_121, %dma_start3A_443, %dma_start3A_444] : memref<2x128x128xf32, #tpu.memory_space<vmem>> -> memref<1x128x128xf32, #tpu.memory_space<vmem>>
      %dma_start3A_446 = tpu.memref_squeeze %dma_start3A_445 : memref<1x128x128xf32, #tpu.memory_space<vmem>> -> memref<128x128xf32, #tpu.memory_space<vmem>>
      tpu.enqueue_dma source(%dma_start3A_446 : memref<128x128xf32, #tpu.memory_space<vmem>>) target(%dma_start3A_442 : memref<128x128xf32, #tpu.memory_space<hbm>>) target_semaphore(%run_scoped3A_434 : memref<!tpu.dma_semaphore, #tpu.memory_space<semaphore_mem>>)
      %dma_wait3A_447 = arith.constant 0 : i32
      %dma_wait3A_448 = arith.constant 0 : i32
      %dma_wait3A_449 = tpu.memref_slice %arg6[%run_scoped3A_121, %dma_wait3A_447, %dma_wait3A_448] : memref<2x128x128xf32, #tpu.memory_space<vmem>> -> memref<1x128x128xf32, #tpu.memory_space<vmem>>
      %dma_wait3A_450 = tpu.memref_squeeze %dma_wait3A_449 : memref<1x128x128xf32, #tpu.memory_space<vmem>> -> memref<128x128xf32, #tpu.memory_space<vmem>>
      %dma_wait3A_451 = arith.constant 0 : i32
      %dma_wait3A_452 = tpu.memref_slice %arg4[%add3A_120, %dma_wait3A_451] : memref<65536x128xf32, #tpu.memory_space<hbm>> -> memref<128x128xf32, #tpu.memory_space<hbm>>
      %dma_wait3A_453 = arith.constant 0 : i32
      %dma_wait3A_454 = tpu.memref_slice %arg4[%add3A_120, %dma_wait3A_453] : memref<65536x128xf32, #tpu.memory_space<hbm>> -> memref<128x128xf32, #tpu.memory_space<hbm>>
      %dma_wait3A_455 = arith.constant 0 : i32
      %dma_wait3A_456 = arith.constant 0 : i32
      %dma_wait3A_457 = tpu.memref_slice %arg6[%run_scoped3A_121, %dma_wait3A_455, %dma_wait3A_456] : memref<2x128x128xf32, #tpu.memory_space<vmem>> -> memref<1x128x128xf32, #tpu.memory_space<vmem>>
      %dma_wait3A_458 = tpu.memref_squeeze %dma_wait3A_457 : memref<1x128x128xf32, #tpu.memory_space<vmem>> -> memref<128x128xf32, #tpu.memory_space<vmem>>
      tpu.wait_dma2 semaphore(%run_scoped3A_434 : memref<!tpu.dma_semaphore, #tpu.memory_space<semaphore_mem>>) src(%dma_wait3A_458 : memref<128x128xf32, #tpu.memory_space<vmem>>) dst(%dma_wait3A_454 : memref<128x128xf32, #tpu.memory_space<hbm>>)
      tpu.yield
    }) : () -> ()
    %dma_start3A_122 = arith.constant 5 : i32
    %dma_start3A_123 = arith.constant 1 : i32
    %dma_start3A_124 = arith.constant 0 : i32
    %dma_start3A_125 = arith.constant 0 : i32
    %dma_start3A_126 = tpu.memref_slice %arg6[%dma_start3A_123, %dma_start3A_124, %dma_start3A_125] : memref<2x128x128xf32, #tpu.memory_space<vmem>> -> memref<1x128x128xf32, #tpu.memory_space<vmem>>
    %dma_start3A_127 = tpu.memref_squeeze %dma_start3A_126 : memref<1x128x128xf32, #tpu.memory_space<vmem>> -> memref<128x128xf32, #tpu.memory_space<vmem>>
    %dma_start3A_128 = arith.constant 0 : i32
    %dma_start3A_129 = tpu.memref_slice %arg5[%dma_start3A_122, %dma_start3A_128] : memref<16x128xi32, #tpu.memory_space<vmem>> -> memref<1x128xi32, #tpu.memory_space<vmem>>
    %dma_start3A_130 = tpu.memref_squeeze %dma_start3A_129 : memref<1x128xi32, #tpu.memory_space<vmem>> -> memref<128xi32, #tpu.memory_space<vmem>>
    %dma_start3A_131 = arith.constant 0 : i32
    %dma_start3A_132 = arith.constant 0 : i32
    %dma_start3A_133 = tpu.memref_slice %arg3[%dma_start3A_131, %dma_start3A_132] : memref<30522x128xf32, #tpu.memory_space<hbm>> -> memref<30522x128xf32, #tpu.memory_space<hbm>>
    tpu.enqueue_indirect_dma source(%dma_start3A_133 : memref<30522x128xf32, #tpu.memory_space<hbm>>) target(%dma_start3A_127 : memref<128x128xf32, #tpu.memory_space<vmem>>) offsets(%dma_start3A_130 : memref<128xi32, #tpu.memory_space<vmem>>) semaphore(%arg8 : memref<!tpu.dma_semaphore, #tpu.memory_space<semaphore_mem>>)
    %dma_wait3A_134 = arith.constant 4 : i32
    %dma_wait3A_135 = arith.constant 0 : i32
    %dma_wait3A_136 = arith.constant 0 : i32
    %dma_wait3A_137 = arith.constant 0 : i32
    %dma_wait3A_138 = tpu.memref_slice %arg6[%dma_wait3A_135, %dma_wait3A_136, %dma_wait3A_137] : memref<2x128x128xf32, #tpu.memory_space<vmem>> -> memref<1x128x128xf32, #tpu.memory_space<vmem>>
    %dma_wait3A_139 = tpu.memref_squeeze %dma_wait3A_138 : memref<1x128x128xf32, #tpu.memory_space<vmem>> -> memref<128x128xf32, #tpu.memory_space<vmem>>
    %dma_wait3A_140 = arith.constant 0 : i32
    %dma_wait3A_141 = tpu.memref_slice %arg5[%dma_wait3A_134, %dma_wait3A_140] : memref<16x128xi32, #tpu.memory_space<vmem>> -> memref<1x128xi32, #tpu.memory_space<vmem>>
    %dma_wait3A_142 = tpu.memref_squeeze %dma_wait3A_141 : memref<1x128xi32, #tpu.memory_space<vmem>> -> memref<128xi32, #tpu.memory_space<vmem>>
    %dma_wait3A_143 = arith.constant 0 : i32
    %dma_wait3A_144 = arith.constant 0 : i32
    %dma_wait3A_145 = tpu.memref_slice %arg3[%dma_wait3A_143, %dma_wait3A_144] : memref<30522x128xf32, #tpu.memory_space<hbm>> -> memref<30522x128xf32, #tpu.memory_space<hbm>>
    tpu.wait_indirect_dma semaphore(%arg7 : memref<!tpu.dma_semaphore, #tpu.memory_space<semaphore_mem>>) src(%dma_wait3A_145 : memref<30522x128xf32, #tpu.memory_space<hbm>>) dst(%dma_wait3A_139 : memref<128x128xf32, #tpu.memory_space<vmem>>)
    %add3A_146 = arith.constant 512 : i32
    %add3A_147 = arith.addi %mul3A_4, %add3A_146 : i32
    %run_scoped3A_148 = arith.constant 0 : i32
    "tpu.region"() ({
      %run_scoped3A_434 = tpu.sem_alloc : memref<!tpu.dma_semaphore, #tpu.memory_space<semaphore_mem>>
      %dma_start3A_435 = arith.constant 0 : i32
      %dma_start3A_436 = arith.constant 0 : i32
      %dma_start3A_437 = tpu.memref_slice %arg6[%run_scoped3A_148, %dma_start3A_435, %dma_start3A_436] : memref<2x128x128xf32, #tpu.memory_space<vmem>> -> memref<1x128x128xf32, #tpu.memory_space<vmem>>
      %dma_start3A_438 = tpu.memref_squeeze %dma_start3A_437 : memref<1x128x128xf32, #tpu.memory_space<vmem>> -> memref<128x128xf32, #tpu.memory_space<vmem>>
      %dma_start3A_439 = arith.constant 0 : i32
      %dma_start3A_440 = tpu.memref_slice %arg4[%add3A_147, %dma_start3A_439] : memref<65536x128xf32, #tpu.memory_space<hbm>> -> memref<128x128xf32, #tpu.memory_space<hbm>>
      %dma_start3A_441 = arith.constant 0 : i32
      %dma_start3A_442 = tpu.memref_slice %arg4[%add3A_147, %dma_start3A_441] : memref<65536x128xf32, #tpu.memory_space<hbm>> -> memref<128x128xf32, #tpu.memory_space<hbm>>
      %dma_start3A_443 = arith.constant 0 : i32
      %dma_start3A_444 = arith.constant 0 : i32
      %dma_start3A_445 = tpu.memref_slice %arg6[%run_scoped3A_148, %dma_start3A_443, %dma_start3A_444] : memref<2x128x128xf32, #tpu.memory_space<vmem>> -> memref<1x128x128xf32, #tpu.memory_space<vmem>>
      %dma_start3A_446 = tpu.memref_squeeze %dma_start3A_445 : memref<1x128x128xf32, #tpu.memory_space<vmem>> -> memref<128x128xf32, #tpu.memory_space<vmem>>
      tpu.enqueue_dma source(%dma_start3A_446 : memref<128x128xf32, #tpu.memory_space<vmem>>) target(%dma_start3A_442 : memref<128x128xf32, #tpu.memory_space<hbm>>) target_semaphore(%run_scoped3A_434 : memref<!tpu.dma_semaphore, #tpu.memory_space<semaphore_mem>>)
      %dma_wait3A_447 = arith.constant 0 : i32
      %dma_wait3A_448 = arith.constant 0 : i32
      %dma_wait3A_449 = tpu.memref_slice %arg6[%run_scoped3A_148, %dma_wait3A_447, %dma_wait3A_448] : memref<2x128x128xf32, #tpu.memory_space<vmem>> -> memref<1x128x128xf32, #tpu.memory_space<vmem>>
      %dma_wait3A_450 = tpu.memref_squeeze %dma_wait3A_449 : memref<1x128x128xf32, #tpu.memory_space<vmem>> -> memref<128x128xf32, #tpu.memory_space<vmem>>
      %dma_wait3A_451 = arith.constant 0 : i32
      %dma_wait3A_452 = tpu.memref_slice %arg4[%add3A_147, %dma_wait3A_451] : memref<65536x128xf32, #tpu.memory_space<hbm>> -> memref<128x128xf32, #tpu.memory_space<hbm>>
      %dma_wait3A_453 = arith.constant 0 : i32
      %dma_wait3A_454 = tpu.memref_slice %arg4[%add3A_147, %dma_wait3A_453] : memref<65536x128xf32, #tpu.memory_space<hbm>> -> memref<128x128xf32, #tpu.memory_space<hbm>>
      %dma_wait3A_455 = arith.constant 0 : i32
      %dma_wait3A_456 = arith.constant 0 : i32
      %dma_wait3A_457 = tpu.memref_slice %arg6[%run_scoped3A_148, %dma_wait3A_455, %dma_wait3A_456] : memref<2x128x128xf32, #tpu.memory_space<vmem>> -> memref<1x128x128xf32, #tpu.memory_space<vmem>>
      %dma_wait3A_458 = tpu.memref_squeeze %dma_wait3A_457 : memref<1x128x128xf32, #tpu.memory_space<vmem>> -> memref<128x128xf32, #tpu.memory_space<vmem>>
      tpu.wait_dma2 semaphore(%run_scoped3A_434 : memref<!tpu.dma_semaphore, #tpu.memory_space<semaphore_mem>>) src(%dma_wait3A_458 : memref<128x128xf32, #tpu.memory_space<vmem>>) dst(%dma_wait3A_454 : memref<128x128xf32, #tpu.memory_space<hbm>>)
      tpu.yield
    }) : () -> ()
    %dma_start3A_149 = arith.constant 6 : i32
    %dma_start3A_150 = arith.constant 0 : i32
    %dma_start3A_151 = arith.constant 0 : i32
    %dma_start3A_152 = arith.constant 0 : i32
    %dma_start3A_153 = tpu.memref_slice %arg6[%dma_start3A_150, %dma_start3A_151, %dma_start3A_152] : memref<2x128x128xf32, #tpu.memory_space<vmem>> -> memref<1x128x128xf32, #tpu.memory_space<vmem>>
    %dma_start3A_154 = tpu.memref_squeeze %dma_start3A_153 : memref<1x128x128xf32, #tpu.memory_space<vmem>> -> memref<128x128xf32, #tpu.memory_space<vmem>>
    %dma_start3A_155 = arith.constant 0 : i32
    %dma_start3A_156 = tpu.memref_slice %arg5[%dma_start3A_149, %dma_start3A_155] : memref<16x128xi32, #tpu.memory_space<vmem>> -> memref<1x128xi32, #tpu.memory_space<vmem>>
    %dma_start3A_157 = tpu.memref_squeeze %dma_start3A_156 : memref<1x128xi32, #tpu.memory_space<vmem>> -> memref<128xi32, #tpu.memory_space<vmem>>
    %dma_start3A_158 = arith.constant 0 : i32
    %dma_start3A_159 = arith.constant 0 : i32
    %dma_start3A_160 = tpu.memref_slice %arg3[%dma_start3A_158, %dma_start3A_159] : memref<30522x128xf32, #tpu.memory_space<hbm>> -> memref<30522x128xf32, #tpu.memory_space<hbm>>
    tpu.enqueue_indirect_dma source(%dma_start3A_160 : memref<30522x128xf32, #tpu.memory_space<hbm>>) target(%dma_start3A_154 : memref<128x128xf32, #tpu.memory_space<vmem>>) offsets(%dma_start3A_157 : memref<128xi32, #tpu.memory_space<vmem>>) semaphore(%arg7 : memref<!tpu.dma_semaphore, #tpu.memory_space<semaphore_mem>>)
    %dma_wait3A_161 = arith.constant 5 : i32
    %dma_wait3A_162 = arith.constant 1 : i32
    %dma_wait3A_163 = arith.constant 0 : i32
    %dma_wait3A_164 = arith.constant 0 : i32
    %dma_wait3A_165 = tpu.memref_slice %arg6[%dma_wait3A_162, %dma_wait3A_163, %dma_wait3A_164] : memref<2x128x128xf32, #tpu.memory_space<vmem>> -> memref<1x128x128xf32, #tpu.memory_space<vmem>>
    %dma_wait3A_166 = tpu.memref_squeeze %dma_wait3A_165 : memref<1x128x128xf32, #tpu.memory_space<vmem>> -> memref<128x128xf32, #tpu.memory_space<vmem>>
    %dma_wait3A_167 = arith.constant 0 : i32
    %dma_wait3A_168 = tpu.memref_slice %arg5[%dma_wait3A_161, %dma_wait3A_167] : memref<16x128xi32, #tpu.memory_space<vmem>> -> memref<1x128xi32, #tpu.memory_space<vmem>>
    %dma_wait3A_169 = tpu.memref_squeeze %dma_wait3A_168 : memref<1x128xi32, #tpu.memory_space<vmem>> -> memref<128xi32, #tpu.memory_space<vmem>>
    %dma_wait3A_170 = arith.constant 0 : i32
    %dma_wait3A_171 = arith.constant 0 : i32
    %dma_wait3A_172 = tpu.memref_slice %arg3[%dma_wait3A_170, %dma_wait3A_171] : memref<30522x128xf32, #tpu.memory_space<hbm>> -> memref<30522x128xf32, #tpu.memory_space<hbm>>
    tpu.wait_indirect_dma semaphore(%arg8 : memref<!tpu.dma_semaphore, #tpu.memory_space<semaphore_mem>>) src(%dma_wait3A_172 : memref<30522x128xf32, #tpu.memory_space<hbm>>) dst(%dma_wait3A_166 : memref<128x128xf32, #tpu.memory_space<vmem>>)
    %add3A_173 = arith.constant 640 : i32
    %add3A_174 = arith.addi %mul3A_4, %add3A_173 : i32
    %run_scoped3A_175 = arith.constant 1 : i32
    "tpu.region"() ({
      %run_scoped3A_434 = tpu.sem_alloc : memref<!tpu.dma_semaphore, #tpu.memory_space<semaphore_mem>>
      %dma_start3A_435 = arith.constant 0 : i32
      %dma_start3A_436 = arith.constant 0 : i32
      %dma_start3A_437 = tpu.memref_slice %arg6[%run_scoped3A_175, %dma_start3A_435, %dma_start3A_436] : memref<2x128x128xf32, #tpu.memory_space<vmem>> -> memref<1x128x128xf32, #tpu.memory_space<vmem>>
      %dma_start3A_438 = tpu.memref_squeeze %dma_start3A_437 : memref<1x128x128xf32, #tpu.memory_space<vmem>> -> memref<128x128xf32, #tpu.memory_space<vmem>>
      %dma_start3A_439 = arith.constant 0 : i32
      %dma_start3A_440 = tpu.memref_slice %arg4[%add3A_174, %dma_start3A_439] : memref<65536x128xf32, #tpu.memory_space<hbm>> -> memref<128x128xf32, #tpu.memory_space<hbm>>
      %dma_start3A_441 = arith.constant 0 : i32
      %dma_start3A_442 = tpu.memref_slice %arg4[%add3A_174, %dma_start3A_441] : memref<65536x128xf32, #tpu.memory_space<hbm>> -> memref<128x128xf32, #tpu.memory_space<hbm>>
      %dma_start3A_443 = arith.constant 0 : i32
      %dma_start3A_444 = arith.constant 0 : i32
      %dma_start3A_445 = tpu.memref_slice %arg6[%run_scoped3A_175, %dma_start3A_443, %dma_start3A_444] : memref<2x128x128xf32, #tpu.memory_space<vmem>> -> memref<1x128x128xf32, #tpu.memory_space<vmem>>
      %dma_start3A_446 = tpu.memref_squeeze %dma_start3A_445 : memref<1x128x128xf32, #tpu.memory_space<vmem>> -> memref<128x128xf32, #tpu.memory_space<vmem>>
      tpu.enqueue_dma source(%dma_start3A_446 : memref<128x128xf32, #tpu.memory_space<vmem>>) target(%dma_start3A_442 : memref<128x128xf32, #tpu.memory_space<hbm>>) target_semaphore(%run_scoped3A_434 : memref<!tpu.dma_semaphore, #tpu.memory_space<semaphore_mem>>)
      %dma_wait3A_447 = arith.constant 0 : i32
      %dma_wait3A_448 = arith.constant 0 : i32
      %dma_wait3A_449 = tpu.memref_slice %arg6[%run_scoped3A_175, %dma_wait3A_447, %dma_wait3A_448] : memref<2x128x128xf32, #tpu.memory_space<vmem>> -> memref<1x128x128xf32, #tpu.memory_space<vmem>>
      %dma_wait3A_450 = tpu.memref_squeeze %dma_wait3A_449 : memref<1x128x128xf32, #tpu.memory_space<vmem>> -> memref<128x128xf32, #tpu.memory_space<vmem>>
      %dma_wait3A_451 = arith.constant 0 : i32
      %dma_wait3A_452 = tpu.memref_slice %arg4[%add3A_174, %dma_wait3A_451] : memref<65536x128xf32, #tpu.memory_space<hbm>> -> memref<128x128xf32, #tpu.memory_space<hbm>>
      %dma_wait3A_453 = arith.constant 0 : i32
      %dma_wait3A_454 = tpu.memref_slice %arg4[%add3A_174, %dma_wait3A_453] : memref<65536x128xf32, #tpu.memory_space<hbm>> -> memref<128x128xf32, #tpu.memory_space<hbm>>
      %dma_wait3A_455 = arith.constant 0 : i32
      %dma_wait3A_456 = arith.constant 0 : i32
      %dma_wait3A_457 = tpu.memref_slice %arg6[%run_scoped3A_175, %dma_wait3A_455, %dma_wait3A_456] : memref<2x128x128xf32, #tpu.memory_space<vmem>> -> memref<1x128x128xf32, #tpu.memory_space<vmem>>
      %dma_wait3A_458 = tpu.memref_squeeze %dma_wait3A_457 : memref<1x128x128xf32, #tpu.memory_space<vmem>> -> memref<128x128xf32, #tpu.memory_space<vmem>>
      tpu.wait_dma2 semaphore(%run_scoped3A_434 : memref<!tpu.dma_semaphore, #tpu.memory_space<semaphore_mem>>) src(%dma_wait3A_458 : memref<128x128xf32, #tpu.memory_space<vmem>>) dst(%dma_wait3A_454 : memref<128x128xf32, #tpu.memory_space<hbm>>)
      tpu.yield
    }) : () -> ()
    %dma_start3A_176 = arith.constant 7 : i32
    %dma_start3A_177 = arith.constant 1 : i32
    %dma_start3A_178 = arith.constant 0 : i32
    %dma_start3A_179 = arith.constant 0 : i32
    %dma_start3A_180 = tpu.memref_slice %arg6[%dma_start3A_177, %dma_start3A_178, %dma_start3A_179] : memref<2x128x128xf32, #tpu.memory_space<vmem>> -> memref<1x128x128xf32, #tpu.memory_space<vmem>>
    %dma_start3A_181 = tpu.memref_squeeze %dma_start3A_180 : memref<1x128x128xf32, #tpu.memory_space<vmem>> -> memref<128x128xf32, #tpu.memory_space<vmem>>
    %dma_start3A_182 = arith.constant 0 : i32
    %dma_start3A_183 = tpu.memref_slice %arg5[%dma_start3A_176, %dma_start3A_182] : memref<16x128xi32, #tpu.memory_space<vmem>> -> memref<1x128xi32, #tpu.memory_space<vmem>>
    %dma_start3A_184 = tpu.memref_squeeze %dma_start3A_183 : memref<1x128xi32, #tpu.memory_space<vmem>> -> memref<128xi32, #tpu.memory_space<vmem>>
    %dma_start3A_185 = arith.constant 0 : i32
    %dma_start3A_186 = arith.constant 0 : i32
    %dma_start3A_187 = tpu.memref_slice %arg3[%dma_start3A_185, %dma_start3A_186] : memref<30522x128xf32, #tpu.memory_space<hbm>> -> memref<30522x128xf32, #tpu.memory_space<hbm>>
    tpu.enqueue_indirect_dma source(%dma_start3A_187 : memref<30522x128xf32, #tpu.memory_space<hbm>>) target(%dma_start3A_181 : memref<128x128xf32, #tpu.memory_space<vmem>>) offsets(%dma_start3A_184 : memref<128xi32, #tpu.memory_space<vmem>>) semaphore(%arg8 : memref<!tpu.dma_semaphore, #tpu.memory_space<semaphore_mem>>)
    %dma_wait3A_188 = arith.constant 6 : i32
    %dma_wait3A_189 = arith.constant 0 : i32
    %dma_wait3A_190 = arith.constant 0 : i32
    %dma_wait3A_191 = arith.constant 0 : i32
    %dma_wait3A_192 = tpu.memref_slice %arg6[%dma_wait3A_189, %dma_wait3A_190, %dma_wait3A_191] : memref<2x128x128xf32, #tpu.memory_space<vmem>> -> memref<1x128x128xf32, #tpu.memory_space<vmem>>
    %dma_wait3A_193 = tpu.memref_squeeze %dma_wait3A_192 : memref<1x128x128xf32, #tpu.memory_space<vmem>> -> memref<128x128xf32, #tpu.memory_space<vmem>>
    %dma_wait3A_194 = arith.constant 0 : i32
    %dma_wait3A_195 = tpu.memref_slice %arg5[%dma_wait3A_188, %dma_wait3A_194] : memref<16x128xi32, #tpu.memory_space<vmem>> -> memref<1x128xi32, #tpu.memory_space<vmem>>
    %dma_wait3A_196 = tpu.memref_squeeze %dma_wait3A_195 : memref<1x128xi32, #tpu.memory_space<vmem>> -> memref<128xi32, #tpu.memory_space<vmem>>
    %dma_wait3A_197 = arith.constant 0 : i32
    %dma_wait3A_198 = arith.constant 0 : i32
    %dma_wait3A_199 = tpu.memref_slice %arg3[%dma_wait3A_197, %dma_wait3A_198] : memref<30522x128xf32, #tpu.memory_space<hbm>> -> memref<30522x128xf32, #tpu.memory_space<hbm>>
    tpu.wait_indirect_dma semaphore(%arg7 : memref<!tpu.dma_semaphore, #tpu.memory_space<semaphore_mem>>) src(%dma_wait3A_199 : memref<30522x128xf32, #tpu.memory_space<hbm>>) dst(%dma_wait3A_193 : memref<128x128xf32, #tpu.memory_space<vmem>>)
    %add3A_200 = arith.constant 768 : i32
    %add3A_201 = arith.addi %mul3A_4, %add3A_200 : i32
    %run_scoped3A_202 = arith.constant 0 : i32
    "tpu.region"() ({
      %run_scoped3A_434 = tpu.sem_alloc : memref<!tpu.dma_semaphore, #tpu.memory_space<semaphore_mem>>
      %dma_start3A_435 = arith.constant 0 : i32
      %dma_start3A_436 = arith.constant 0 : i32
      %dma_start3A_437 = tpu.memref_slice %arg6[%run_scoped3A_202, %dma_start3A_435, %dma_start3A_436] : memref<2x128x128xf32, #tpu.memory_space<vmem>> -> memref<1x128x128xf32, #tpu.memory_space<vmem>>
      %dma_start3A_438 = tpu.memref_squeeze %dma_start3A_437 : memref<1x128x128xf32, #tpu.memory_space<vmem>> -> memref<128x128xf32, #tpu.memory_space<vmem>>
      %dma_start3A_439 = arith.constant 0 : i32
      %dma_start3A_440 = tpu.memref_slice %arg4[%add3A_201, %dma_start3A_439] : memref<65536x128xf32, #tpu.memory_space<hbm>> -> memref<128x128xf32, #tpu.memory_space<hbm>>
      %dma_start3A_441 = arith.constant 0 : i32
      %dma_start3A_442 = tpu.memref_slice %arg4[%add3A_201, %dma_start3A_441] : memref<65536x128xf32, #tpu.memory_space<hbm>> -> memref<128x128xf32, #tpu.memory_space<hbm>>
      %dma_start3A_443 = arith.constant 0 : i32
      %dma_start3A_444 = arith.constant 0 : i32
      %dma_start3A_445 = tpu.memref_slice %arg6[%run_scoped3A_202, %dma_start3A_443, %dma_start3A_444] : memref<2x128x128xf32, #tpu.memory_space<vmem>> -> memref<1x128x128xf32, #tpu.memory_space<vmem>>
      %dma_start3A_446 = tpu.memref_squeeze %dma_start3A_445 : memref<1x128x128xf32, #tpu.memory_space<vmem>> -> memref<128x128xf32, #tpu.memory_space<vmem>>
      tpu.enqueue_dma source(%dma_start3A_446 : memref<128x128xf32, #tpu.memory_space<vmem>>) target(%dma_start3A_442 : memref<128x128xf32, #tpu.memory_space<hbm>>) target_semaphore(%run_scoped3A_434 : memref<!tpu.dma_semaphore, #tpu.memory_space<semaphore_mem>>)
      %dma_wait3A_447 = arith.constant 0 : i32
      %dma_wait3A_448 = arith.constant 0 : i32
      %dma_wait3A_449 = tpu.memref_slice %arg6[%run_scoped3A_202, %dma_wait3A_447, %dma_wait3A_448] : memref<2x128x128xf32, #tpu.memory_space<vmem>> -> memref<1x128x128xf32, #tpu.memory_space<vmem>>
      %dma_wait3A_450 = tpu.memref_squeeze %dma_wait3A_449 : memref<1x128x128xf32, #tpu.memory_space<vmem>> -> memref<128x128xf32, #tpu.memory_space<vmem>>
      %dma_wait3A_451 = arith.constant 0 : i32
      %dma_wait3A_452 = tpu.memref_slice %arg4[%add3A_201, %dma_wait3A_451] : memref<65536x128xf32, #tpu.memory_space<hbm>> -> memref<128x128xf32, #tpu.memory_space<hbm>>
      %dma_wait3A_453 = arith.constant 0 : i32
      %dma_wait3A_454 = tpu.memref_slice %arg4[%add3A_201, %dma_wait3A_453] : memref<65536x128xf32, #tpu.memory_space<hbm>> -> memref<128x128xf32, #tpu.memory_space<hbm>>
      %dma_wait3A_455 = arith.constant 0 : i32
      %dma_wait3A_456 = arith.constant 0 : i32
      %dma_wait3A_457 = tpu.memref_slice %arg6[%run_scoped3A_202, %dma_wait3A_455, %dma_wait3A_456] : memref<2x128x128xf32, #tpu.memory_space<vmem>> -> memref<1x128x128xf32, #tpu.memory_space<vmem>>
      %dma_wait3A_458 = tpu.memref_squeeze %dma_wait3A_457 : memref<1x128x128xf32, #tpu.memory_space<vmem>> -> memref<128x128xf32, #tpu.memory_space<vmem>>
      tpu.wait_dma2 semaphore(%run_scoped3A_434 : memref<!tpu.dma_semaphore, #tpu.memory_space<semaphore_mem>>) src(%dma_wait3A_458 : memref<128x128xf32, #tpu.memory_space<vmem>>) dst(%dma_wait3A_454 : memref<128x128xf32, #tpu.memory_space<hbm>>)
      tpu.yield
    }) : () -> ()
    %dma_start3A_203 = arith.constant 8 : i32
    %dma_start3A_204 = arith.constant 0 : i32
    %dma_start3A_205 = arith.constant 0 : i32
    %dma_start3A_206 = arith.constant 0 : i32
    %dma_start3A_207 = tpu.memref_slice %arg6[%dma_start3A_204, %dma_start3A_205, %dma_start3A_206] : memref<2x128x128xf32, #tpu.memory_space<vmem>> -> memref<1x128x128xf32, #tpu.memory_space<vmem>>
    %dma_start3A_208 = tpu.memref_squeeze %dma_start3A_207 : memref<1x128x128xf32, #tpu.memory_space<vmem>> -> memref<128x128xf32, #tpu.memory_space<vmem>>
    %dma_start3A_209 = arith.constant 0 : i32
    %dma_start3A_210 = tpu.memref_slice %arg5[%dma_start3A_203, %dma_start3A_209] : memref<16x128xi32, #tpu.memory_space<vmem>> -> memref<1x128xi32, #tpu.memory_space<vmem>>
    %dma_start3A_211 = tpu.memref_squeeze %dma_start3A_210 : memref<1x128xi32, #tpu.memory_space<vmem>> -> memref<128xi32, #tpu.memory_space<vmem>>
    %dma_start3A_212 = arith.constant 0 : i32
    %dma_start3A_213 = arith.constant 0 : i32
    %dma_start3A_214 = tpu.memref_slice %arg3[%dma_start3A_212, %dma_start3A_213] : memref<30522x128xf32, #tpu.memory_space<hbm>> -> memref<30522x128xf32, #tpu.memory_space<hbm>>
    tpu.enqueue_indirect_dma source(%dma_start3A_214 : memref<30522x128xf32, #tpu.memory_space<hbm>>) target(%dma_start3A_208 : memref<128x128xf32, #tpu.memory_space<vmem>>) offsets(%dma_start3A_211 : memref<128xi32, #tpu.memory_space<vmem>>) semaphore(%arg7 : memref<!tpu.dma_semaphore, #tpu.memory_space<semaphore_mem>>)
    %dma_wait3A_215 = arith.constant 7 : i32
    %dma_wait3A_216 = arith.constant 1 : i32
    %dma_wait3A_217 = arith.constant 0 : i32
    %dma_wait3A_218 = arith.constant 0 : i32
    %dma_wait3A_219 = tpu.memref_slice %arg6[%dma_wait3A_216, %dma_wait3A_217, %dma_wait3A_218] : memref<2x128x128xf32, #tpu.memory_space<vmem>> -> memref<1x128x128xf32, #tpu.memory_space<vmem>>
    %dma_wait3A_220 = tpu.memref_squeeze %dma_wait3A_219 : memref<1x128x128xf32, #tpu.memory_space<vmem>> -> memref<128x128xf32, #tpu.memory_space<vmem>>
    %dma_wait3A_221 = arith.constant 0 : i32
    %dma_wait3A_222 = tpu.memref_slice %arg5[%dma_wait3A_215, %dma_wait3A_221] : memref<16x128xi32, #tpu.memory_space<vmem>> -> memref<1x128xi32, #tpu.memory_space<vmem>>
    %dma_wait3A_223 = tpu.memref_squeeze %dma_wait3A_222 : memref<1x128xi32, #tpu.memory_space<vmem>> -> memref<128xi32, #tpu.memory_space<vmem>>
    %dma_wait3A_224 = arith.constant 0 : i32
    %dma_wait3A_225 = arith.constant 0 : i32
    %dma_wait3A_226 = tpu.memref_slice %arg3[%dma_wait3A_224, %dma_wait3A_225] : memref<30522x128xf32, #tpu.memory_space<hbm>> -> memref<30522x128xf32, #tpu.memory_space<hbm>>
    tpu.wait_indirect_dma semaphore(%arg8 : memref<!tpu.dma_semaphore, #tpu.memory_space<semaphore_mem>>) src(%dma_wait3A_226 : memref<30522x128xf32, #tpu.memory_space<hbm>>) dst(%dma_wait3A_220 : memref<128x128xf32, #tpu.memory_space<vmem>>)
    %add3A_227 = arith.constant 896 : i32
    %add3A_228 = arith.addi %mul3A_4, %add3A_227 : i32
    %run_scoped3A_229 = arith.constant 1 : i32
    "tpu.region"() ({
      %run_scoped3A_434 = tpu.sem_alloc : memref<!tpu.dma_semaphore, #tpu.memory_space<semaphore_mem>>
      %dma_start3A_435 = arith.constant 0 : i32
      %dma_start3A_436 = arith.constant 0 : i32
      %dma_start3A_437 = tpu.memref_slice %arg6[%run_scoped3A_229, %dma_start3A_435, %dma_start3A_436] : memref<2x128x128xf32, #tpu.memory_space<vmem>> -> memref<1x128x128xf32, #tpu.memory_space<vmem>>
      %dma_start3A_438 = tpu.memref_squeeze %dma_start3A_437 : memref<1x128x128xf32, #tpu.memory_space<vmem>> -> memref<128x128xf32, #tpu.memory_space<vmem>>
      %dma_start3A_439 = arith.constant 0 : i32
      %dma_start3A_440 = tpu.memref_slice %arg4[%add3A_228, %dma_start3A_439] : memref<65536x128xf32, #tpu.memory_space<hbm>> -> memref<128x128xf32, #tpu.memory_space<hbm>>
      %dma_start3A_441 = arith.constant 0 : i32
      %dma_start3A_442 = tpu.memref_slice %arg4[%add3A_228, %dma_start3A_441] : memref<65536x128xf32, #tpu.memory_space<hbm>> -> memref<128x128xf32, #tpu.memory_space<hbm>>
      %dma_start3A_443 = arith.constant 0 : i32
      %dma_start3A_444 = arith.constant 0 : i32
      %dma_start3A_445 = tpu.memref_slice %arg6[%run_scoped3A_229, %dma_start3A_443, %dma_start3A_444] : memref<2x128x128xf32, #tpu.memory_space<vmem>> -> memref<1x128x128xf32, #tpu.memory_space<vmem>>
      %dma_start3A_446 = tpu.memref_squeeze %dma_start3A_445 : memref<1x128x128xf32, #tpu.memory_space<vmem>> -> memref<128x128xf32, #tpu.memory_space<vmem>>
      tpu.enqueue_dma source(%dma_start3A_446 : memref<128x128xf32, #tpu.memory_space<vmem>>) target(%dma_start3A_442 : memref<128x128xf32, #tpu.memory_space<hbm>>) target_semaphore(%run_scoped3A_434 : memref<!tpu.dma_semaphore, #tpu.memory_space<semaphore_mem>>)
      %dma_wait3A_447 = arith.constant 0 : i32
      %dma_wait3A_448 = arith.constant 0 : i32
      %dma_wait3A_449 = tpu.memref_slice %arg6[%run_scoped3A_229, %dma_wait3A_447, %dma_wait3A_448] : memref<2x128x128xf32, #tpu.memory_space<vmem>> -> memref<1x128x128xf32, #tpu.memory_space<vmem>>
      %dma_wait3A_450 = tpu.memref_squeeze %dma_wait3A_449 : memref<1x128x128xf32, #tpu.memory_space<vmem>> -> memref<128x128xf32, #tpu.memory_space<vmem>>
      %dma_wait3A_451 = arith.constant 0 : i32
      %dma_wait3A_452 = tpu.memref_slice %arg4[%add3A_228, %dma_wait3A_451] : memref<65536x128xf32, #tpu.memory_space<hbm>> -> memref<128x128xf32, #tpu.memory_space<hbm>>
      %dma_wait3A_453 = arith.constant 0 : i32
      %dma_wait3A_454 = tpu.memref_slice %arg4[%add3A_228, %dma_wait3A_453] : memref<65536x128xf32, #tpu.memory_space<hbm>> -> memref<128x128xf32, #tpu.memory_space<hbm>>
      %dma_wait3A_455 = arith.constant 0 : i32
      %dma_wait3A_456 = arith.constant 0 : i32
      %dma_wait3A_457 = tpu.memref_slice %arg6[%run_scoped3A_229, %dma_wait3A_455, %dma_wait3A_456] : memref<2x128x128xf32, #tpu.memory_space<vmem>> -> memref<1x128x128xf32, #tpu.memory_space<vmem>>
      %dma_wait3A_458 = tpu.memref_squeeze %dma_wait3A_457 : memref<1x128x128xf32, #tpu.memory_space<vmem>> -> memref<128x128xf32, #tpu.memory_space<vmem>>
      tpu.wait_dma2 semaphore(%run_scoped3A_434 : memref<!tpu.dma_semaphore, #tpu.memory_space<semaphore_mem>>) src(%dma_wait3A_458 : memref<128x128xf32, #tpu.memory_space<vmem>>) dst(%dma_wait3A_454 : memref<128x128xf32, #tpu.memory_space<hbm>>)
      tpu.yield
    }) : () -> ()
    %dma_start3A_230 = arith.constant 9 : i32
    %dma_start3A_231 = arith.constant 1 : i32
    %dma_start3A_232 = arith.constant 0 : i32
    %dma_start3A_233 = arith.constant 0 : i32
    %dma_start3A_234 = tpu.memref_slice %arg6[%dma_start3A_231, %dma_start3A_232, %dma_start3A_233] : memref<2x128x128xf32, #tpu.memory_space<vmem>> -> memref<1x128x128xf32, #tpu.memory_space<vmem>>
    %dma_start3A_235 = tpu.memref_squeeze %dma_start3A_234 : memref<1x128x128xf32, #tpu.memory_space<vmem>> -> memref<128x128xf32, #tpu.memory_space<vmem>>
    %dma_start3A_236 = arith.constant 0 : i32
    %dma_start3A_237 = tpu.memref_slice %arg5[%dma_start3A_230, %dma_start3A_236] : memref<16x128xi32, #tpu.memory_space<vmem>> -> memref<1x128xi32, #tpu.memory_space<vmem>>
    %dma_start3A_238 = tpu.memref_squeeze %dma_start3A_237 : memref<1x128xi32, #tpu.memory_space<vmem>> -> memref<128xi32, #tpu.memory_space<vmem>>
    %dma_start3A_239 = arith.constant 0 : i32
    %dma_start3A_240 = arith.constant 0 : i32
    %dma_start3A_241 = tpu.memref_slice %arg3[%dma_start3A_239, %dma_start3A_240] : memref<30522x128xf32, #tpu.memory_space<hbm>> -> memref<30522x128xf32, #tpu.memory_space<hbm>>
    tpu.enqueue_indirect_dma source(%dma_start3A_241 : memref<30522x128xf32, #tpu.memory_space<hbm>>) target(%dma_start3A_235 : memref<128x128xf32, #tpu.memory_space<vmem>>) offsets(%dma_start3A_238 : memref<128xi32, #tpu.memory_space<vmem>>) semaphore(%arg8 : memref<!tpu.dma_semaphore, #tpu.memory_space<semaphore_mem>>)
    %dma_wait3A_242 = arith.constant 8 : i32
    %dma_wait3A_243 = arith.constant 0 : i32
    %dma_wait3A_244 = arith.constant 0 : i32
    %dma_wait3A_245 = arith.constant 0 : i32
    %dma_wait3A_246 = tpu.memref_slice %arg6[%dma_wait3A_243, %dma_wait3A_244, %dma_wait3A_245] : memref<2x128x128xf32, #tpu.memory_space<vmem>> -> memref<1x128x128xf32, #tpu.memory_space<vmem>>
    %dma_wait3A_247 = tpu.memref_squeeze %dma_wait3A_246 : memref<1x128x128xf32, #tpu.memory_space<vmem>> -> memref<128x128xf32, #tpu.memory_space<vmem>>
    %dma_wait3A_248 = arith.constant 0 : i32
    %dma_wait3A_249 = tpu.memref_slice %arg5[%dma_wait3A_242, %dma_wait3A_248] : memref<16x128xi32, #tpu.memory_space<vmem>> -> memref<1x128xi32, #tpu.memory_space<vmem>>
    %dma_wait3A_250 = tpu.memref_squeeze %dma_wait3A_249 : memref<1x128xi32, #tpu.memory_space<vmem>> -> memref<128xi32, #tpu.memory_space<vmem>>
    %dma_wait3A_251 = arith.constant 0 : i32
    %dma_wait3A_252 = arith.constant 0 : i32
    %dma_wait3A_253 = tpu.memref_slice %arg3[%dma_wait3A_251, %dma_wait3A_252] : memref<30522x128xf32, #tpu.memory_space<hbm>> -> memref<30522x128xf32, #tpu.memory_space<hbm>>
    tpu.wait_indirect_dma semaphore(%arg7 : memref<!tpu.dma_semaphore, #tpu.memory_space<semaphore_mem>>) src(%dma_wait3A_253 : memref<30522x128xf32, #tpu.memory_space<hbm>>) dst(%dma_wait3A_247 : memref<128x128xf32, #tpu.memory_space<vmem>>)
    %add3A_254 = arith.constant 1024 : i32
    %add3A_255 = arith.addi %mul3A_4, %add3A_254 : i32
    %run_scoped3A_256 = arith.constant 0 : i32
    "tpu.region"() ({
      %run_scoped3A_434 = tpu.sem_alloc : memref<!tpu.dma_semaphore, #tpu.memory_space<semaphore_mem>>
      %dma_start3A_435 = arith.constant 0 : i32
      %dma_start3A_436 = arith.constant 0 : i32
      %dma_start3A_437 = tpu.memref_slice %arg6[%run_scoped3A_256, %dma_start3A_435, %dma_start3A_436] : memref<2x128x128xf32, #tpu.memory_space<vmem>> -> memref<1x128x128xf32, #tpu.memory_space<vmem>>
      %dma_start3A_438 = tpu.memref_squeeze %dma_start3A_437 : memref<1x128x128xf32, #tpu.memory_space<vmem>> -> memref<128x128xf32, #tpu.memory_space<vmem>>
      %dma_start3A_439 = arith.constant 0 : i32
      %dma_start3A_440 = tpu.memref_slice %arg4[%add3A_255, %dma_start3A_439] : memref<65536x128xf32, #tpu.memory_space<hbm>> -> memref<128x128xf32, #tpu.memory_space<hbm>>
      %dma_start3A_441 = arith.constant 0 : i32
      %dma_start3A_442 = tpu.memref_slice %arg4[%add3A_255, %dma_start3A_441] : memref<65536x128xf32, #tpu.memory_space<hbm>> -> memref<128x128xf32, #tpu.memory_space<hbm>>
      %dma_start3A_443 = arith.constant 0 : i32
      %dma_start3A_444 = arith.constant 0 : i32
      %dma_start3A_445 = tpu.memref_slice %arg6[%run_scoped3A_256, %dma_start3A_443, %dma_start3A_444] : memref<2x128x128xf32, #tpu.memory_space<vmem>> -> memref<1x128x128xf32, #tpu.memory_space<vmem>>
      %dma_start3A_446 = tpu.memref_squeeze %dma_start3A_445 : memref<1x128x128xf32, #tpu.memory_space<vmem>> -> memref<128x128xf32, #tpu.memory_space<vmem>>
      tpu.enqueue_dma source(%dma_start3A_446 : memref<128x128xf32, #tpu.memory_space<vmem>>) target(%dma_start3A_442 : memref<128x128xf32, #tpu.memory_space<hbm>>) target_semaphore(%run_scoped3A_434 : memref<!tpu.dma_semaphore, #tpu.memory_space<semaphore_mem>>)
      %dma_wait3A_447 = arith.constant 0 : i32
      %dma_wait3A_448 = arith.constant 0 : i32
      %dma_wait3A_449 = tpu.memref_slice %arg6[%run_scoped3A_256, %dma_wait3A_447, %dma_wait3A_448] : memref<2x128x128xf32, #tpu.memory_space<vmem>> -> memref<1x128x128xf32, #tpu.memory_space<vmem>>
      %dma_wait3A_450 = tpu.memref_squeeze %dma_wait3A_449 : memref<1x128x128xf32, #tpu.memory_space<vmem>> -> memref<128x128xf32, #tpu.memory_space<vmem>>
      %dma_wait3A_451 = arith.constant 0 : i32
      %dma_wait3A_452 = tpu.memref_slice %arg4[%add3A_255, %dma_wait3A_451] : memref<65536x128xf32, #tpu.memory_space<hbm>> -> memref<128x128xf32, #tpu.memory_space<hbm>>
      %dma_wait3A_453 = arith.constant 0 : i32
      %dma_wait3A_454 = tpu.memref_slice %arg4[%add3A_255, %dma_wait3A_453] : memref<65536x128xf32, #tpu.memory_space<hbm>> -> memref<128x128xf32, #tpu.memory_space<hbm>>
      %dma_wait3A_455 = arith.constant 0 : i32
      %dma_wait3A_456 = arith.constant 0 : i32
      %dma_wait3A_457 = tpu.memref_slice %arg6[%run_scoped3A_256, %dma_wait3A_455, %dma_wait3A_456] : memref<2x128x128xf32, #tpu.memory_space<vmem>> -> memref<1x128x128xf32, #tpu.memory_space<vmem>>
      %dma_wait3A_458 = tpu.memref_squeeze %dma_wait3A_457 : memref<1x128x128xf32, #tpu.memory_space<vmem>> -> memref<128x128xf32, #tpu.memory_space<vmem>>
      tpu.wait_dma2 semaphore(%run_scoped3A_434 : memref<!tpu.dma_semaphore, #tpu.memory_space<semaphore_mem>>) src(%dma_wait3A_458 : memref<128x128xf32, #tpu.memory_space<vmem>>) dst(%dma_wait3A_454 : memref<128x128xf32, #tpu.memory_space<hbm>>)
      tpu.yield
    }) : () -> ()
    %dma_start3A_257 = arith.constant 10 : i32
    %dma_start3A_258 = arith.constant 0 : i32
    %dma_start3A_259 = arith.constant 0 : i32
    %dma_start3A_260 = arith.constant 0 : i32
    %dma_start3A_261 = tpu.memref_slice %arg6[%dma_start3A_258, %dma_start3A_259, %dma_start3A_260] : memref<2x128x128xf32, #tpu.memory_space<vmem>> -> memref<1x128x128xf32, #tpu.memory_space<vmem>>
    %dma_start3A_262 = tpu.memref_squeeze %dma_start3A_261 : memref<1x128x128xf32, #tpu.memory_space<vmem>> -> memref<128x128xf32, #tpu.memory_space<vmem>>
    %dma_start3A_263 = arith.constant 0 : i32
    %dma_start3A_264 = tpu.memref_slice %arg5[%dma_start3A_257, %dma_start3A_263] : memref<16x128xi32, #tpu.memory_space<vmem>> -> memref<1x128xi32, #tpu.memory_space<vmem>>
    %dma_start3A_265 = tpu.memref_squeeze %dma_start3A_264 : memref<1x128xi32, #tpu.memory_space<vmem>> -> memref<128xi32, #tpu.memory_space<vmem>>
    %dma_start3A_266 = arith.constant 0 : i32
    %dma_start3A_267 = arith.constant 0 : i32
    %dma_start3A_268 = tpu.memref_slice %arg3[%dma_start3A_266, %dma_start3A_267] : memref<30522x128xf32, #tpu.memory_space<hbm>> -> memref<30522x128xf32, #tpu.memory_space<hbm>>
    tpu.enqueue_indirect_dma source(%dma_start3A_268 : memref<30522x128xf32, #tpu.memory_space<hbm>>) target(%dma_start3A_262 : memref<128x128xf32, #tpu.memory_space<vmem>>) offsets(%dma_start3A_265 : memref<128xi32, #tpu.memory_space<vmem>>) semaphore(%arg7 : memref<!tpu.dma_semaphore, #tpu.memory_space<semaphore_mem>>)
    %dma_wait3A_269 = arith.constant 9 : i32
    %dma_wait3A_270 = arith.constant 1 : i32
    %dma_wait3A_271 = arith.constant 0 : i32
    %dma_wait3A_272 = arith.constant 0 : i32
    %dma_wait3A_273 = tpu.memref_slice %arg6[%dma_wait3A_270, %dma_wait3A_271, %dma_wait3A_272] : memref<2x128x128xf32, #tpu.memory_space<vmem>> -> memref<1x128x128xf32, #tpu.memory_space<vmem>>
    %dma_wait3A_274 = tpu.memref_squeeze %dma_wait3A_273 : memref<1x128x128xf32, #tpu.memory_space<vmem>> -> memref<128x128xf32, #tpu.memory_space<vmem>>
    %dma_wait3A_275 = arith.constant 0 : i32
    %dma_wait3A_276 = tpu.memref_slice %arg5[%dma_wait3A_269, %dma_wait3A_275] : memref<16x128xi32, #tpu.memory_space<vmem>> -> memref<1x128xi32, #tpu.memory_space<vmem>>
    %dma_wait3A_277 = tpu.memref_squeeze %dma_wait3A_276 : memref<1x128xi32, #tpu.memory_space<vmem>> -> memref<128xi32, #tpu.memory_space<vmem>>
    %dma_wait3A_278 = arith.constant 0 : i32
    %dma_wait3A_279 = arith.constant 0 : i32
    %dma_wait3A_280 = tpu.memref_slice %arg3[%dma_wait3A_278, %dma_wait3A_279] : memref<30522x128xf32, #tpu.memory_space<hbm>> -> memref<30522x128xf32, #tpu.memory_space<hbm>>
    tpu.wait_indirect_dma semaphore(%arg8 : memref<!tpu.dma_semaphore, #tpu.memory_space<semaphore_mem>>) src(%dma_wait3A_280 : memref<30522x128xf32, #tpu.memory_space<hbm>>) dst(%dma_wait3A_274 : memref<128x128xf32, #tpu.memory_space<vmem>>)
    %add3A_281 = arith.constant 1152 : i32
    %add3A_282 = arith.addi %mul3A_4, %add3A_281 : i32
    %run_scoped3A_283 = arith.constant 1 : i32
    "tpu.region"() ({
      %run_scoped3A_434 = tpu.sem_alloc : memref<!tpu.dma_semaphore, #tpu.memory_space<semaphore_mem>>
      %dma_start3A_435 = arith.constant 0 : i32
      %dma_start3A_436 = arith.constant 0 : i32
      %dma_start3A_437 = tpu.memref_slice %arg6[%run_scoped3A_283, %dma_start3A_435, %dma_start3A_436] : memref<2x128x128xf32, #tpu.memory_space<vmem>> -> memref<1x128x128xf32, #tpu.memory_space<vmem>>
      %dma_start3A_438 = tpu.memref_squeeze %dma_start3A_437 : memref<1x128x128xf32, #tpu.memory_space<vmem>> -> memref<128x128xf32, #tpu.memory_space<vmem>>
      %dma_start3A_439 = arith.constant 0 : i32
      %dma_start3A_440 = tpu.memref_slice %arg4[%add3A_282, %dma_start3A_439] : memref<65536x128xf32, #tpu.memory_space<hbm>> -> memref<128x128xf32, #tpu.memory_space<hbm>>
      %dma_start3A_441 = arith.constant 0 : i32
      %dma_start3A_442 = tpu.memref_slice %arg4[%add3A_282, %dma_start3A_441] : memref<65536x128xf32, #tpu.memory_space<hbm>> -> memref<128x128xf32, #tpu.memory_space<hbm>>
      %dma_start3A_443 = arith.constant 0 : i32
      %dma_start3A_444 = arith.constant 0 : i32
      %dma_start3A_445 = tpu.memref_slice %arg6[%run_scoped3A_283, %dma_start3A_443, %dma_start3A_444] : memref<2x128x128xf32, #tpu.memory_space<vmem>> -> memref<1x128x128xf32, #tpu.memory_space<vmem>>
      %dma_start3A_446 = tpu.memref_squeeze %dma_start3A_445 : memref<1x128x128xf32, #tpu.memory_space<vmem>> -> memref<128x128xf32, #tpu.memory_space<vmem>>
      tpu.enqueue_dma source(%dma_start3A_446 : memref<128x128xf32, #tpu.memory_space<vmem>>) target(%dma_start3A_442 : memref<128x128xf32, #tpu.memory_space<hbm>>) target_semaphore(%run_scoped3A_434 : memref<!tpu.dma_semaphore, #tpu.memory_space<semaphore_mem>>)
      %dma_wait3A_447 = arith.constant 0 : i32
      %dma_wait3A_448 = arith.constant 0 : i32
      %dma_wait3A_449 = tpu.memref_slice %arg6[%run_scoped3A_283, %dma_wait3A_447, %dma_wait3A_448] : memref<2x128x128xf32, #tpu.memory_space<vmem>> -> memref<1x128x128xf32, #tpu.memory_space<vmem>>
      %dma_wait3A_450 = tpu.memref_squeeze %dma_wait3A_449 : memref<1x128x128xf32, #tpu.memory_space<vmem>> -> memref<128x128xf32, #tpu.memory_space<vmem>>
      %dma_wait3A_451 = arith.constant 0 : i32
      %dma_wait3A_452 = tpu.memref_slice %arg4[%add3A_282, %dma_wait3A_451] : memref<65536x128xf32, #tpu.memory_space<hbm>> -> memref<128x128xf32, #tpu.memory_space<hbm>>
      %dma_wait3A_453 = arith.constant 0 : i32
      %dma_wait3A_454 = tpu.memref_slice %arg4[%add3A_282, %dma_wait3A_453] : memref<65536x128xf32, #tpu.memory_space<hbm>> -> memref<128x128xf32, #tpu.memory_space<hbm>>
      %dma_wait3A_455 = arith.constant 0 : i32
      %dma_wait3A_456 = arith.constant 0 : i32
      %dma_wait3A_457 = tpu.memref_slice %arg6[%run_scoped3A_283, %dma_wait3A_455, %dma_wait3A_456] : memref<2x128x128xf32, #tpu.memory_space<vmem>> -> memref<1x128x128xf32, #tpu.memory_space<vmem>>
      %dma_wait3A_458 = tpu.memref_squeeze %dma_wait3A_457 : memref<1x128x128xf32, #tpu.memory_space<vmem>> -> memref<128x128xf32, #tpu.memory_space<vmem>>
      tpu.wait_dma2 semaphore(%run_scoped3A_434 : memref<!tpu.dma_semaphore, #tpu.memory_space<semaphore_mem>>) src(%dma_wait3A_458 : memref<128x128xf32, #tpu.memory_space<vmem>>) dst(%dma_wait3A_454 : memref<128x128xf32, #tpu.memory_space<hbm>>)
      tpu.yield
    }) : () -> ()
    %dma_start3A_284 = arith.constant 11 : i32
    %dma_start3A_285 = arith.constant 1 : i32
    %dma_start3A_286 = arith.constant 0 : i32
    %dma_start3A_287 = arith.constant 0 : i32
    %dma_start3A_288 = tpu.memref_slice %arg6[%dma_start3A_285, %dma_start3A_286, %dma_start3A_287] : memref<2x128x128xf32, #tpu.memory_space<vmem>> -> memref<1x128x128xf32, #tpu.memory_space<vmem>>
    %dma_start3A_289 = tpu.memref_squeeze %dma_start3A_288 : memref<1x128x128xf32, #tpu.memory_space<vmem>> -> memref<128x128xf32, #tpu.memory_space<vmem>>
    %dma_start3A_290 = arith.constant 0 : i32
    %dma_start3A_291 = tpu.memref_slice %arg5[%dma_start3A_284, %dma_start3A_290] : memref<16x128xi32, #tpu.memory_space<vmem>> -> memref<1x128xi32, #tpu.memory_space<vmem>>
    %dma_start3A_292 = tpu.memref_squeeze %dma_start3A_291 : memref<1x128xi32, #tpu.memory_space<vmem>> -> memref<128xi32, #tpu.memory_space<vmem>>
    %dma_start3A_293 = arith.constant 0 : i32
    %dma_start3A_294 = arith.constant 0 : i32
    %dma_start3A_295 = tpu.memref_slice %arg3[%dma_start3A_293, %dma_start3A_294] : memref<30522x128xf32, #tpu.memory_space<hbm>> -> memref<30522x128xf32, #tpu.memory_space<hbm>>
    tpu.enqueue_indirect_dma source(%dma_start3A_295 : memref<30522x128xf32, #tpu.memory_space<hbm>>) target(%dma_start3A_289 : memref<128x128xf32, #tpu.memory_space<vmem>>) offsets(%dma_start3A_292 : memref<128xi32, #tpu.memory_space<vmem>>) semaphore(%arg8 : memref<!tpu.dma_semaphore, #tpu.memory_space<semaphore_mem>>)
    %dma_wait3A_296 = arith.constant 10 : i32
    %dma_wait3A_297 = arith.constant 0 : i32
    %dma_wait3A_298 = arith.constant 0 : i32
    %dma_wait3A_299 = arith.constant 0 : i32
    %dma_wait3A_300 = tpu.memref_slice %arg6[%dma_wait3A_297, %dma_wait3A_298, %dma_wait3A_299] : memref<2x128x128xf32, #tpu.memory_space<vmem>> -> memref<1x128x128xf32, #tpu.memory_space<vmem>>
    %dma_wait3A_301 = tpu.memref_squeeze %dma_wait3A_300 : memref<1x128x128xf32, #tpu.memory_space<vmem>> -> memref<128x128xf32, #tpu.memory_space<vmem>>
    %dma_wait3A_302 = arith.constant 0 : i32
    %dma_wait3A_303 = tpu.memref_slice %arg5[%dma_wait3A_296, %dma_wait3A_302] : memref<16x128xi32, #tpu.memory_space<vmem>> -> memref<1x128xi32, #tpu.memory_space<vmem>>
    %dma_wait3A_304 = tpu.memref_squeeze %dma_wait3A_303 : memref<1x128xi32, #tpu.memory_space<vmem>> -> memref<128xi32, #tpu.memory_space<vmem>>
    %dma_wait3A_305 = arith.constant 0 : i32
    %dma_wait3A_306 = arith.constant 0 : i32
    %dma_wait3A_307 = tpu.memref_slice %arg3[%dma_wait3A_305, %dma_wait3A_306] : memref<30522x128xf32, #tpu.memory_space<hbm>> -> memref<30522x128xf32, #tpu.memory_space<hbm>>
    tpu.wait_indirect_dma semaphore(%arg7 : memref<!tpu.dma_semaphore, #tpu.memory_space<semaphore_mem>>) src(%dma_wait3A_307 : memref<30522x128xf32, #tpu.memory_space<hbm>>) dst(%dma_wait3A_301 : memref<128x128xf32, #tpu.memory_space<vmem>>)
    %add3A_308 = arith.constant 1280 : i32
    %add3A_309 = arith.addi %mul3A_4, %add3A_308 : i32
    %run_scoped3A_310 = arith.constant 0 : i32
    "tpu.region"() ({
      %run_scoped3A_434 = tpu.sem_alloc : memref<!tpu.dma_semaphore, #tpu.memory_space<semaphore_mem>>
      %dma_start3A_435 = arith.constant 0 : i32
      %dma_start3A_436 = arith.constant 0 : i32
      %dma_start3A_437 = tpu.memref_slice %arg6[%run_scoped3A_310, %dma_start3A_435, %dma_start3A_436] : memref<2x128x128xf32, #tpu.memory_space<vmem>> -> memref<1x128x128xf32, #tpu.memory_space<vmem>>
      %dma_start3A_438 = tpu.memref_squeeze %dma_start3A_437 : memref<1x128x128xf32, #tpu.memory_space<vmem>> -> memref<128x128xf32, #tpu.memory_space<vmem>>
      %dma_start3A_439 = arith.constant 0 : i32
      %dma_start3A_440 = tpu.memref_slice %arg4[%add3A_309, %dma_start3A_439] : memref<65536x128xf32, #tpu.memory_space<hbm>> -> memref<128x128xf32, #tpu.memory_space<hbm>>
      %dma_start3A_441 = arith.constant 0 : i32
      %dma_start3A_442 = tpu.memref_slice %arg4[%add3A_309, %dma_start3A_441] : memref<65536x128xf32, #tpu.memory_space<hbm>> -> memref<128x128xf32, #tpu.memory_space<hbm>>
      %dma_start3A_443 = arith.constant 0 : i32
      %dma_start3A_444 = arith.constant 0 : i32
      %dma_start3A_445 = tpu.memref_slice %arg6[%run_scoped3A_310, %dma_start3A_443, %dma_start3A_444] : memref<2x128x128xf32, #tpu.memory_space<vmem>> -> memref<1x128x128xf32, #tpu.memory_space<vmem>>
      %dma_start3A_446 = tpu.memref_squeeze %dma_start3A_445 : memref<1x128x128xf32, #tpu.memory_space<vmem>> -> memref<128x128xf32, #tpu.memory_space<vmem>>
      tpu.enqueue_dma source(%dma_start3A_446 : memref<128x128xf32, #tpu.memory_space<vmem>>) target(%dma_start3A_442 : memref<128x128xf32, #tpu.memory_space<hbm>>) target_semaphore(%run_scoped3A_434 : memref<!tpu.dma_semaphore, #tpu.memory_space<semaphore_mem>>)
      %dma_wait3A_447 = arith.constant 0 : i32
      %dma_wait3A_448 = arith.constant 0 : i32
      %dma_wait3A_449 = tpu.memref_slice %arg6[%run_scoped3A_310, %dma_wait3A_447, %dma_wait3A_448] : memref<2x128x128xf32, #tpu.memory_space<vmem>> -> memref<1x128x128xf32, #tpu.memory_space<vmem>>
      %dma_wait3A_450 = tpu.memref_squeeze %dma_wait3A_449 : memref<1x128x128xf32, #tpu.memory_space<vmem>> -> memref<128x128xf32, #tpu.memory_space<vmem>>
      %dma_wait3A_451 = arith.constant 0 : i32
      %dma_wait3A_452 = tpu.memref_slice %arg4[%add3A_309, %dma_wait3A_451] : memref<65536x128xf32, #tpu.memory_space<hbm>> -> memref<128x128xf32, #tpu.memory_space<hbm>>
      %dma_wait3A_453 = arith.constant 0 : i32
      %dma_wait3A_454 = tpu.memref_slice %arg4[%add3A_309, %dma_wait3A_453] : memref<65536x128xf32, #tpu.memory_space<hbm>> -> memref<128x128xf32, #tpu.memory_space<hbm>>
      %dma_wait3A_455 = arith.constant 0 : i32
      %dma_wait3A_456 = arith.constant 0 : i32
      %dma_wait3A_457 = tpu.memref_slice %arg6[%run_scoped3A_310, %dma_wait3A_455, %dma_wait3A_456] : memref<2x128x128xf32, #tpu.memory_space<vmem>> -> memref<1x128x128xf32, #tpu.memory_space<vmem>>
      %dma_wait3A_458 = tpu.memref_squeeze %dma_wait3A_457 : memref<1x128x128xf32, #tpu.memory_space<vmem>> -> memref<128x128xf32, #tpu.memory_space<vmem>>
      tpu.wait_dma2 semaphore(%run_scoped3A_434 : memref<!tpu.dma_semaphore, #tpu.memory_space<semaphore_mem>>) src(%dma_wait3A_458 : memref<128x128xf32, #tpu.memory_space<vmem>>) dst(%dma_wait3A_454 : memref<128x128xf32, #tpu.memory_space<hbm>>)
      tpu.yield
    }) : () -> ()
    %dma_start3A_311 = arith.constant 12 : i32
    %dma_start3A_312 = arith.constant 0 : i32
    %dma_start3A_313 = arith.constant 0 : i32
    %dma_start3A_314 = arith.constant 0 : i32
    %dma_start3A_315 = tpu.memref_slice %arg6[%dma_start3A_312, %dma_start3A_313, %dma_start3A_314] : memref<2x128x128xf32, #tpu.memory_space<vmem>> -> memref<1x128x128xf32, #tpu.memory_space<vmem>>
    %dma_start3A_316 = tpu.memref_squeeze %dma_start3A_315 : memref<1x128x128xf32, #tpu.memory_space<vmem>> -> memref<128x128xf32, #tpu.memory_space<vmem>>
    %dma_start3A_317 = arith.constant 0 : i32
    %dma_start3A_318 = tpu.memref_slice %arg5[%dma_start3A_311, %dma_start3A_317] : memref<16x128xi32, #tpu.memory_space<vmem>> -> memref<1x128xi32, #tpu.memory_space<vmem>>
    %dma_start3A_319 = tpu.memref_squeeze %dma_start3A_318 : memref<1x128xi32, #tpu.memory_space<vmem>> -> memref<128xi32, #tpu.memory_space<vmem>>
    %dma_start3A_320 = arith.constant 0 : i32
    %dma_start3A_321 = arith.constant 0 : i32
    %dma_start3A_322 = tpu.memref_slice %arg3[%dma_start3A_320, %dma_start3A_321] : memref<30522x128xf32, #tpu.memory_space<hbm>> -> memref<30522x128xf32, #tpu.memory_space<hbm>>
    tpu.enqueue_indirect_dma source(%dma_start3A_322 : memref<30522x128xf32, #tpu.memory_space<hbm>>) target(%dma_start3A_316 : memref<128x128xf32, #tpu.memory_space<vmem>>) offsets(%dma_start3A_319 : memref<128xi32, #tpu.memory_space<vmem>>) semaphore(%arg7 : memref<!tpu.dma_semaphore, #tpu.memory_space<semaphore_mem>>)
    %dma_wait3A_323 = arith.constant 11 : i32
    %dma_wait3A_324 = arith.constant 1 : i32
    %dma_wait3A_325 = arith.constant 0 : i32
    %dma_wait3A_326 = arith.constant 0 : i32
    %dma_wait3A_327 = tpu.memref_slice %arg6[%dma_wait3A_324, %dma_wait3A_325, %dma_wait3A_326] : memref<2x128x128xf32, #tpu.memory_space<vmem>> -> memref<1x128x128xf32, #tpu.memory_space<vmem>>
    %dma_wait3A_328 = tpu.memref_squeeze %dma_wait3A_327 : memref<1x128x128xf32, #tpu.memory_space<vmem>> -> memref<128x128xf32, #tpu.memory_space<vmem>>
    %dma_wait3A_329 = arith.constant 0 : i32
    %dma_wait3A_330 = tpu.memref_slice %arg5[%dma_wait3A_323, %dma_wait3A_329] : memref<16x128xi32, #tpu.memory_space<vmem>> -> memref<1x128xi32, #tpu.memory_space<vmem>>
    %dma_wait3A_331 = tpu.memref_squeeze %dma_wait3A_330 : memref<1x128xi32, #tpu.memory_space<vmem>> -> memref<128xi32, #tpu.memory_space<vmem>>
    %dma_wait3A_332 = arith.constant 0 : i32
    %dma_wait3A_333 = arith.constant 0 : i32
    %dma_wait3A_334 = tpu.memref_slice %arg3[%dma_wait3A_332, %dma_wait3A_333] : memref<30522x128xf32, #tpu.memory_space<hbm>> -> memref<30522x128xf32, #tpu.memory_space<hbm>>
    tpu.wait_indirect_dma semaphore(%arg8 : memref<!tpu.dma_semaphore, #tpu.memory_space<semaphore_mem>>) src(%dma_wait3A_334 : memref<30522x128xf32, #tpu.memory_space<hbm>>) dst(%dma_wait3A_328 : memref<128x128xf32, #tpu.memory_space<vmem>>)
    %add3A_335 = arith.constant 1408 : i32
    %add3A_336 = arith.addi %mul3A_4, %add3A_335 : i32
    %run_scoped3A_337 = arith.constant 1 : i32
    "tpu.region"() ({
      %run_scoped3A_434 = tpu.sem_alloc : memref<!tpu.dma_semaphore, #tpu.memory_space<semaphore_mem>>
      %dma_start3A_435 = arith.constant 0 : i32
      %dma_start3A_436 = arith.constant 0 : i32
      %dma_start3A_437 = tpu.memref_slice %arg6[%run_scoped3A_337, %dma_start3A_435, %dma_start3A_436] : memref<2x128x128xf32, #tpu.memory_space<vmem>> -> memref<1x128x128xf32, #tpu.memory_space<vmem>>
      %dma_start3A_438 = tpu.memref_squeeze %dma_start3A_437 : memref<1x128x128xf32, #tpu.memory_space<vmem>> -> memref<128x128xf32, #tpu.memory_space<vmem>>
      %dma_start3A_439 = arith.constant 0 : i32
      %dma_start3A_440 = tpu.memref_slice %arg4[%add3A_336, %dma_start3A_439] : memref<65536x128xf32, #tpu.memory_space<hbm>> -> memref<128x128xf32, #tpu.memory_space<hbm>>
      %dma_start3A_441 = arith.constant 0 : i32
      %dma_start3A_442 = tpu.memref_slice %arg4[%add3A_336, %dma_start3A_441] : memref<65536x128xf32, #tpu.memory_space<hbm>> -> memref<128x128xf32, #tpu.memory_space<hbm>>
      %dma_start3A_443 = arith.constant 0 : i32
      %dma_start3A_444 = arith.constant 0 : i32
      %dma_start3A_445 = tpu.memref_slice %arg6[%run_scoped3A_337, %dma_start3A_443, %dma_start3A_444] : memref<2x128x128xf32, #tpu.memory_space<vmem>> -> memref<1x128x128xf32, #tpu.memory_space<vmem>>
      %dma_start3A_446 = tpu.memref_squeeze %dma_start3A_445 : memref<1x128x128xf32, #tpu.memory_space<vmem>> -> memref<128x128xf32, #tpu.memory_space<vmem>>
      tpu.enqueue_dma source(%dma_start3A_446 : memref<128x128xf32, #tpu.memory_space<vmem>>) target(%dma_start3A_442 : memref<128x128xf32, #tpu.memory_space<hbm>>) target_semaphore(%run_scoped3A_434 : memref<!tpu.dma_semaphore, #tpu.memory_space<semaphore_mem>>)
      %dma_wait3A_447 = arith.constant 0 : i32
      %dma_wait3A_448 = arith.constant 0 : i32
      %dma_wait3A_449 = tpu.memref_slice %arg6[%run_scoped3A_337, %dma_wait3A_447, %dma_wait3A_448] : memref<2x128x128xf32, #tpu.memory_space<vmem>> -> memref<1x128x128xf32, #tpu.memory_space<vmem>>
      %dma_wait3A_450 = tpu.memref_squeeze %dma_wait3A_449 : memref<1x128x128xf32, #tpu.memory_space<vmem>> -> memref<128x128xf32, #tpu.memory_space<vmem>>
      %dma_wait3A_451 = arith.constant 0 : i32
      %dma_wait3A_452 = tpu.memref_slice %arg4[%add3A_336, %dma_wait3A_451] : memref<65536x128xf32, #tpu.memory_space<hbm>> -> memref<128x128xf32, #tpu.memory_space<hbm>>
      %dma_wait3A_453 = arith.constant 0 : i32
      %dma_wait3A_454 = tpu.memref_slice %arg4[%add3A_336, %dma_wait3A_453] : memref<65536x128xf32, #tpu.memory_space<hbm>> -> memref<128x128xf32, #tpu.memory_space<hbm>>
      %dma_wait3A_455 = arith.constant 0 : i32
      %dma_wait3A_456 = arith.constant 0 : i32
      %dma_wait3A_457 = tpu.memref_slice %arg6[%run_scoped3A_337, %dma_wait3A_455, %dma_wait3A_456] : memref<2x128x128xf32, #tpu.memory_space<vmem>> -> memref<1x128x128xf32, #tpu.memory_space<vmem>>
      %dma_wait3A_458 = tpu.memref_squeeze %dma_wait3A_457 : memref<1x128x128xf32, #tpu.memory_space<vmem>> -> memref<128x128xf32, #tpu.memory_space<vmem>>
      tpu.wait_dma2 semaphore(%run_scoped3A_434 : memref<!tpu.dma_semaphore, #tpu.memory_space<semaphore_mem>>) src(%dma_wait3A_458 : memref<128x128xf32, #tpu.memory_space<vmem>>) dst(%dma_wait3A_454 : memref<128x128xf32, #tpu.memory_space<hbm>>)
      tpu.yield
    }) : () -> ()
    %dma_start3A_338 = arith.constant 13 : i32
    %dma_start3A_339 = arith.constant 1 : i32
    %dma_start3A_340 = arith.constant 0 : i32
    %dma_start3A_341 = arith.constant 0 : i32
    %dma_start3A_342 = tpu.memref_slice %arg6[%dma_start3A_339, %dma_start3A_340, %dma_start3A_341] : memref<2x128x128xf32, #tpu.memory_space<vmem>> -> memref<1x128x128xf32, #tpu.memory_space<vmem>>
    %dma_start3A_343 = tpu.memref_squeeze %dma_start3A_342 : memref<1x128x128xf32, #tpu.memory_space<vmem>> -> memref<128x128xf32, #tpu.memory_space<vmem>>
    %dma_start3A_344 = arith.constant 0 : i32
    %dma_start3A_345 = tpu.memref_slice %arg5[%dma_start3A_338, %dma_start3A_344] : memref<16x128xi32, #tpu.memory_space<vmem>> -> memref<1x128xi32, #tpu.memory_space<vmem>>
    %dma_start3A_346 = tpu.memref_squeeze %dma_start3A_345 : memref<1x128xi32, #tpu.memory_space<vmem>> -> memref<128xi32, #tpu.memory_space<vmem>>
    %dma_start3A_347 = arith.constant 0 : i32
    %dma_start3A_348 = arith.constant 0 : i32
    %dma_start3A_349 = tpu.memref_slice %arg3[%dma_start3A_347, %dma_start3A_348] : memref<30522x128xf32, #tpu.memory_space<hbm>> -> memref<30522x128xf32, #tpu.memory_space<hbm>>
    tpu.enqueue_indirect_dma source(%dma_start3A_349 : memref<30522x128xf32, #tpu.memory_space<hbm>>) target(%dma_start3A_343 : memref<128x128xf32, #tpu.memory_space<vmem>>) offsets(%dma_start3A_346 : memref<128xi32, #tpu.memory_space<vmem>>) semaphore(%arg8 : memref<!tpu.dma_semaphore, #tpu.memory_space<semaphore_mem>>)
    %dma_wait3A_350 = arith.constant 12 : i32
    %dma_wait3A_351 = arith.constant 0 : i32
    %dma_wait3A_352 = arith.constant 0 : i32
    %dma_wait3A_353 = arith.constant 0 : i32
    %dma_wait3A_354 = tpu.memref_slice %arg6[%dma_wait3A_351, %dma_wait3A_352, %dma_wait3A_353] : memref<2x128x128xf32, #tpu.memory_space<vmem>> -> memref<1x128x128xf32, #tpu.memory_space<vmem>>
    %dma_wait3A_355 = tpu.memref_squeeze %dma_wait3A_354 : memref<1x128x128xf32, #tpu.memory_space<vmem>> -> memref<128x128xf32, #tpu.memory_space<vmem>>
    %dma_wait3A_356 = arith.constant 0 : i32
    %dma_wait3A_357 = tpu.memref_slice %arg5[%dma_wait3A_350, %dma_wait3A_356] : memref<16x128xi32, #tpu.memory_space<vmem>> -> memref<1x128xi32, #tpu.memory_space<vmem>>
    %dma_wait3A_358 = tpu.memref_squeeze %dma_wait3A_357 : memref<1x128xi32, #tpu.memory_space<vmem>> -> memref<128xi32, #tpu.memory_space<vmem>>
    %dma_wait3A_359 = arith.constant 0 : i32
    %dma_wait3A_360 = arith.constant 0 : i32
    %dma_wait3A_361 = tpu.memref_slice %arg3[%dma_wait3A_359, %dma_wait3A_360] : memref<30522x128xf32, #tpu.memory_space<hbm>> -> memref<30522x128xf32, #tpu.memory_space<hbm>>
    tpu.wait_indirect_dma semaphore(%arg7 : memref<!tpu.dma_semaphore, #tpu.memory_space<semaphore_mem>>) src(%dma_wait3A_361 : memref<30522x128xf32, #tpu.memory_space<hbm>>) dst(%dma_wait3A_355 : memref<128x128xf32, #tpu.memory_space<vmem>>)
    %add3A_362 = arith.constant 1536 : i32
    %add3A_363 = arith.addi %mul3A_4, %add3A_362 : i32
    %run_scoped3A_364 = arith.constant 0 : i32
    "tpu.region"() ({
      %run_scoped3A_434 = tpu.sem_alloc : memref<!tpu.dma_semaphore, #tpu.memory_space<semaphore_mem>>
      %dma_start3A_435 = arith.constant 0 : i32
      %dma_start3A_436 = arith.constant 0 : i32
      %dma_start3A_437 = tpu.memref_slice %arg6[%run_scoped3A_364, %dma_start3A_435, %dma_start3A_436] : memref<2x128x128xf32, #tpu.memory_space<vmem>> -> memref<1x128x128xf32, #tpu.memory_space<vmem>>
      %dma_start3A_438 = tpu.memref_squeeze %dma_start3A_437 : memref<1x128x128xf32, #tpu.memory_space<vmem>> -> memref<128x128xf32, #tpu.memory_space<vmem>>
      %dma_start3A_439 = arith.constant 0 : i32
      %dma_start3A_440 = tpu.memref_slice %arg4[%add3A_363, %dma_start3A_439] : memref<65536x128xf32, #tpu.memory_space<hbm>> -> memref<128x128xf32, #tpu.memory_space<hbm>>
      %dma_start3A_441 = arith.constant 0 : i32
      %dma_start3A_442 = tpu.memref_slice %arg4[%add3A_363, %dma_start3A_441] : memref<65536x128xf32, #tpu.memory_space<hbm>> -> memref<128x128xf32, #tpu.memory_space<hbm>>
      %dma_start3A_443 = arith.constant 0 : i32
      %dma_start3A_444 = arith.constant 0 : i32
      %dma_start3A_445 = tpu.memref_slice %arg6[%run_scoped3A_364, %dma_start3A_443, %dma_start3A_444] : memref<2x128x128xf32, #tpu.memory_space<vmem>> -> memref<1x128x128xf32, #tpu.memory_space<vmem>>
      %dma_start3A_446 = tpu.memref_squeeze %dma_start3A_445 : memref<1x128x128xf32, #tpu.memory_space<vmem>> -> memref<128x128xf32, #tpu.memory_space<vmem>>
      tpu.enqueue_dma source(%dma_start3A_446 : memref<128x128xf32, #tpu.memory_space<vmem>>) target(%dma_start3A_442 : memref<128x128xf32, #tpu.memory_space<hbm>>) target_semaphore(%run_scoped3A_434 : memref<!tpu.dma_semaphore, #tpu.memory_space<semaphore_mem>>)
      %dma_wait3A_447 = arith.constant 0 : i32
      %dma_wait3A_448 = arith.constant 0 : i32
      %dma_wait3A_449 = tpu.memref_slice %arg6[%run_scoped3A_364, %dma_wait3A_447, %dma_wait3A_448] : memref<2x128x128xf32, #tpu.memory_space<vmem>> -> memref<1x128x128xf32, #tpu.memory_space<vmem>>
      %dma_wait3A_450 = tpu.memref_squeeze %dma_wait3A_449 : memref<1x128x128xf32, #tpu.memory_space<vmem>> -> memref<128x128xf32, #tpu.memory_space<vmem>>
      %dma_wait3A_451 = arith.constant 0 : i32
      %dma_wait3A_452 = tpu.memref_slice %arg4[%add3A_363, %dma_wait3A_451] : memref<65536x128xf32, #tpu.memory_space<hbm>> -> memref<128x128xf32, #tpu.memory_space<hbm>>
      %dma_wait3A_453 = arith.constant 0 : i32
      %dma_wait3A_454 = tpu.memref_slice %arg4[%add3A_363, %dma_wait3A_453] : memref<65536x128xf32, #tpu.memory_space<hbm>> -> memref<128x128xf32, #tpu.memory_space<hbm>>
      %dma_wait3A_455 = arith.constant 0 : i32
      %dma_wait3A_456 = arith.constant 0 : i32
      %dma_wait3A_457 = tpu.memref_slice %arg6[%run_scoped3A_364, %dma_wait3A_455, %dma_wait3A_456] : memref<2x128x128xf32, #tpu.memory_space<vmem>> -> memref<1x128x128xf32, #tpu.memory_space<vmem>>
      %dma_wait3A_458 = tpu.memref_squeeze %dma_wait3A_457 : memref<1x128x128xf32, #tpu.memory_space<vmem>> -> memref<128x128xf32, #tpu.memory_space<vmem>>
      tpu.wait_dma2 semaphore(%run_scoped3A_434 : memref<!tpu.dma_semaphore, #tpu.memory_space<semaphore_mem>>) src(%dma_wait3A_458 : memref<128x128xf32, #tpu.memory_space<vmem>>) dst(%dma_wait3A_454 : memref<128x128xf32, #tpu.memory_space<hbm>>)
      tpu.yield
    }) : () -> ()
    %dma_start3A_365 = arith.constant 14 : i32
    %dma_start3A_366 = arith.constant 0 : i32
    %dma_start3A_367 = arith.constant 0 : i32
    %dma_start3A_368 = arith.constant 0 : i32
    %dma_start3A_369 = tpu.memref_slice %arg6[%dma_start3A_366, %dma_start3A_367, %dma_start3A_368] : memref<2x128x128xf32, #tpu.memory_space<vmem>> -> memref<1x128x128xf32, #tpu.memory_space<vmem>>
    %dma_start3A_370 = tpu.memref_squeeze %dma_start3A_369 : memref<1x128x128xf32, #tpu.memory_space<vmem>> -> memref<128x128xf32, #tpu.memory_space<vmem>>
    %dma_start3A_371 = arith.constant 0 : i32
    %dma_start3A_372 = tpu.memref_slice %arg5[%dma_start3A_365, %dma_start3A_371] : memref<16x128xi32, #tpu.memory_space<vmem>> -> memref<1x128xi32, #tpu.memory_space<vmem>>
    %dma_start3A_373 = tpu.memref_squeeze %dma_start3A_372 : memref<1x128xi32, #tpu.memory_space<vmem>> -> memref<128xi32, #tpu.memory_space<vmem>>
    %dma_start3A_374 = arith.constant 0 : i32
    %dma_start3A_375 = arith.constant 0 : i32
    %dma_start3A_376 = tpu.memref_slice %arg3[%dma_start3A_374, %dma_start3A_375] : memref<30522x128xf32, #tpu.memory_space<hbm>> -> memref<30522x128xf32, #tpu.memory_space<hbm>>
    tpu.enqueue_indirect_dma source(%dma_start3A_376 : memref<30522x128xf32, #tpu.memory_space<hbm>>) target(%dma_start3A_370 : memref<128x128xf32, #tpu.memory_space<vmem>>) offsets(%dma_start3A_373 : memref<128xi32, #tpu.memory_space<vmem>>) semaphore(%arg7 : memref<!tpu.dma_semaphore, #tpu.memory_space<semaphore_mem>>)
    %dma_wait3A_377 = arith.constant 13 : i32
    %dma_wait3A_378 = arith.constant 1 : i32
    %dma_wait3A_379 = arith.constant 0 : i32
    %dma_wait3A_380 = arith.constant 0 : i32
    %dma_wait3A_381 = tpu.memref_slice %arg6[%dma_wait3A_378, %dma_wait3A_379, %dma_wait3A_380] : memref<2x128x128xf32, #tpu.memory_space<vmem>> -> memref<1x128x128xf32, #tpu.memory_space<vmem>>
    %dma_wait3A_382 = tpu.memref_squeeze %dma_wait3A_381 : memref<1x128x128xf32, #tpu.memory_space<vmem>> -> memref<128x128xf32, #tpu.memory_space<vmem>>
    %dma_wait3A_383 = arith.constant 0 : i32
    %dma_wait3A_384 = tpu.memref_slice %arg5[%dma_wait3A_377, %dma_wait3A_383] : memref<16x128xi32, #tpu.memory_space<vmem>> -> memref<1x128xi32, #tpu.memory_space<vmem>>
    %dma_wait3A_385 = tpu.memref_squeeze %dma_wait3A_384 : memref<1x128xi32, #tpu.memory_space<vmem>> -> memref<128xi32, #tpu.memory_space<vmem>>
    %dma_wait3A_386 = arith.constant 0 : i32
    %dma_wait3A_387 = arith.constant 0 : i32
    %dma_wait3A_388 = tpu.memref_slice %arg3[%dma_wait3A_386, %dma_wait3A_387] : memref<30522x128xf32, #tpu.memory_space<hbm>> -> memref<30522x128xf32, #tpu.memory_space<hbm>>
    tpu.wait_indirect_dma semaphore(%arg8 : memref<!tpu.dma_semaphore, #tpu.memory_space<semaphore_mem>>) src(%dma_wait3A_388 : memref<30522x128xf32, #tpu.memory_space<hbm>>) dst(%dma_wait3A_382 : memref<128x128xf32, #tpu.memory_space<vmem>>)
    %add3A_389 = arith.constant 1664 : i32
    %add3A_390 = arith.addi %mul3A_4, %add3A_389 : i32
    %run_scoped3A_391 = arith.constant 1 : i32
    "tpu.region"() ({
      %run_scoped3A_434 = tpu.sem_alloc : memref<!tpu.dma_semaphore, #tpu.memory_space<semaphore_mem>>
      %dma_start3A_435 = arith.constant 0 : i32
      %dma_start3A_436 = arith.constant 0 : i32
      %dma_start3A_437 = tpu.memref_slice %arg6[%run_scoped3A_391, %dma_start3A_435, %dma_start3A_436] : memref<2x128x128xf32, #tpu.memory_space<vmem>> -> memref<1x128x128xf32, #tpu.memory_space<vmem>>
      %dma_start3A_438 = tpu.memref_squeeze %dma_start3A_437 : memref<1x128x128xf32, #tpu.memory_space<vmem>> -> memref<128x128xf32, #tpu.memory_space<vmem>>
      %dma_start3A_439 = arith.constant 0 : i32
      %dma_start3A_440 = tpu.memref_slice %arg4[%add3A_390, %dma_start3A_439] : memref<65536x128xf32, #tpu.memory_space<hbm>> -> memref<128x128xf32, #tpu.memory_space<hbm>>
      %dma_start3A_441 = arith.constant 0 : i32
      %dma_start3A_442 = tpu.memref_slice %arg4[%add3A_390, %dma_start3A_441] : memref<65536x128xf32, #tpu.memory_space<hbm>> -> memref<128x128xf32, #tpu.memory_space<hbm>>
      %dma_start3A_443 = arith.constant 0 : i32
      %dma_start3A_444 = arith.constant 0 : i32
      %dma_start3A_445 = tpu.memref_slice %arg6[%run_scoped3A_391, %dma_start3A_443, %dma_start3A_444] : memref<2x128x128xf32, #tpu.memory_space<vmem>> -> memref<1x128x128xf32, #tpu.memory_space<vmem>>
      %dma_start3A_446 = tpu.memref_squeeze %dma_start3A_445 : memref<1x128x128xf32, #tpu.memory_space<vmem>> -> memref<128x128xf32, #tpu.memory_space<vmem>>
      tpu.enqueue_dma source(%dma_start3A_446 : memref<128x128xf32, #tpu.memory_space<vmem>>) target(%dma_start3A_442 : memref<128x128xf32, #tpu.memory_space<hbm>>) target_semaphore(%run_scoped3A_434 : memref<!tpu.dma_semaphore, #tpu.memory_space<semaphore_mem>>)
      %dma_wait3A_447 = arith.constant 0 : i32
      %dma_wait3A_448 = arith.constant 0 : i32
      %dma_wait3A_449 = tpu.memref_slice %arg6[%run_scoped3A_391, %dma_wait3A_447, %dma_wait3A_448] : memref<2x128x128xf32, #tpu.memory_space<vmem>> -> memref<1x128x128xf32, #tpu.memory_space<vmem>>
      %dma_wait3A_450 = tpu.memref_squeeze %dma_wait3A_449 : memref<1x128x128xf32, #tpu.memory_space<vmem>> -> memref<128x128xf32, #tpu.memory_space<vmem>>
      %dma_wait3A_451 = arith.constant 0 : i32
      %dma_wait3A_452 = tpu.memref_slice %arg4[%add3A_390, %dma_wait3A_451] : memref<65536x128xf32, #tpu.memory_space<hbm>> -> memref<128x128xf32, #tpu.memory_space<hbm>>
      %dma_wait3A_453 = arith.constant 0 : i32
      %dma_wait3A_454 = tpu.memref_slice %arg4[%add3A_390, %dma_wait3A_453] : memref<65536x128xf32, #tpu.memory_space<hbm>> -> memref<128x128xf32, #tpu.memory_space<hbm>>
      %dma_wait3A_455 = arith.constant 0 : i32
      %dma_wait3A_456 = arith.constant 0 : i32
      %dma_wait3A_457 = tpu.memref_slice %arg6[%run_scoped3A_391, %dma_wait3A_455, %dma_wait3A_456] : memref<2x128x128xf32, #tpu.memory_space<vmem>> -> memref<1x128x128xf32, #tpu.memory_space<vmem>>
      %dma_wait3A_458 = tpu.memref_squeeze %dma_wait3A_457 : memref<1x128x128xf32, #tpu.memory_space<vmem>> -> memref<128x128xf32, #tpu.memory_space<vmem>>
      tpu.wait_dma2 semaphore(%run_scoped3A_434 : memref<!tpu.dma_semaphore, #tpu.memory_space<semaphore_mem>>) src(%dma_wait3A_458 : memref<128x128xf32, #tpu.memory_space<vmem>>) dst(%dma_wait3A_454 : memref<128x128xf32, #tpu.memory_space<hbm>>)
      tpu.yield
    }) : () -> ()
    %dma_start3A_392 = arith.constant 15 : i32
    %dma_start3A_393 = arith.constant 1 : i32
    %dma_start3A_394 = arith.constant 0 : i32
    %dma_start3A_395 = arith.constant 0 : i32
    %dma_start3A_396 = tpu.memref_slice %arg6[%dma_start3A_393, %dma_start3A_394, %dma_start3A_395] : memref<2x128x128xf32, #tpu.memory_space<vmem>> -> memref<1x128x128xf32, #tpu.memory_space<vmem>>
    %dma_start3A_397 = tpu.memref_squeeze %dma_start3A_396 : memref<1x128x128xf32, #tpu.memory_space<vmem>> -> memref<128x128xf32, #tpu.memory_space<vmem>>
    %dma_start3A_398 = arith.constant 0 : i32
    %dma_start3A_399 = tpu.memref_slice %arg5[%dma_start3A_392, %dma_start3A_398] : memref<16x128xi32, #tpu.memory_space<vmem>> -> memref<1x128xi32, #tpu.memory_space<vmem>>
    %dma_start3A_400 = tpu.memref_squeeze %dma_start3A_399 : memref<1x128xi32, #tpu.memory_space<vmem>> -> memref<128xi32, #tpu.memory_space<vmem>>
    %dma_start3A_401 = arith.constant 0 : i32
    %dma_start3A_402 = arith.constant 0 : i32
    %dma_start3A_403 = tpu.memref_slice %arg3[%dma_start3A_401, %dma_start3A_402] : memref<30522x128xf32, #tpu.memory_space<hbm>> -> memref<30522x128xf32, #tpu.memory_space<hbm>>
    tpu.enqueue_indirect_dma source(%dma_start3A_403 : memref<30522x128xf32, #tpu.memory_space<hbm>>) target(%dma_start3A_397 : memref<128x128xf32, #tpu.memory_space<vmem>>) offsets(%dma_start3A_400 : memref<128xi32, #tpu.memory_space<vmem>>) semaphore(%arg8 : memref<!tpu.dma_semaphore, #tpu.memory_space<semaphore_mem>>)
    %dma_wait3A_404 = arith.constant 14 : i32
    %dma_wait3A_405 = arith.constant 0 : i32
    %dma_wait3A_406 = arith.constant 0 : i32
    %dma_wait3A_407 = arith.constant 0 : i32
    %dma_wait3A_408 = tpu.memref_slice %arg6[%dma_wait3A_405, %dma_wait3A_406, %dma_wait3A_407] : memref<2x128x128xf32, #tpu.memory_space<vmem>> -> memref<1x128x128xf32, #tpu.memory_space<vmem>>
    %dma_wait3A_409 = tpu.memref_squeeze %dma_wait3A_408 : memref<1x128x128xf32, #tpu.memory_space<vmem>> -> memref<128x128xf32, #tpu.memory_space<vmem>>
    %dma_wait3A_410 = arith.constant 0 : i32
    %dma_wait3A_411 = tpu.memref_slice %arg5[%dma_wait3A_404, %dma_wait3A_410] : memref<16x128xi32, #tpu.memory_space<vmem>> -> memref<1x128xi32, #tpu.memory_space<vmem>>
    %dma_wait3A_412 = tpu.memref_squeeze %dma_wait3A_411 : memref<1x128xi32, #tpu.memory_space<vmem>> -> memref<128xi32, #tpu.memory_space<vmem>>
    %dma_wait3A_413 = arith.constant 0 : i32
    %dma_wait3A_414 = arith.constant 0 : i32
    %dma_wait3A_415 = tpu.memref_slice %arg3[%dma_wait3A_413, %dma_wait3A_414] : memref<30522x128xf32, #tpu.memory_space<hbm>> -> memref<30522x128xf32, #tpu.memory_space<hbm>>
    tpu.wait_indirect_dma semaphore(%arg7 : memref<!tpu.dma_semaphore, #tpu.memory_space<semaphore_mem>>) src(%dma_wait3A_415 : memref<30522x128xf32, #tpu.memory_space<hbm>>) dst(%dma_wait3A_409 : memref<128x128xf32, #tpu.memory_space<vmem>>)
    %add3A_416 = arith.constant 1792 : i32
    %add3A_417 = arith.addi %mul3A_4, %add3A_416 : i32
    %run_scoped3A_418 = arith.constant 0 : i32
    "tpu.region"() ({
      %run_scoped3A_434 = tpu.sem_alloc : memref<!tpu.dma_semaphore, #tpu.memory_space<semaphore_mem>>
      %dma_start3A_435 = arith.constant 0 : i32
      %dma_start3A_436 = arith.constant 0 : i32
      %dma_start3A_437 = tpu.memref_slice %arg6[%run_scoped3A_418, %dma_start3A_435, %dma_start3A_436] : memref<2x128x128xf32, #tpu.memory_space<vmem>> -> memref<1x128x128xf32, #tpu.memory_space<vmem>>
      %dma_start3A_438 = tpu.memref_squeeze %dma_start3A_437 : memref<1x128x128xf32, #tpu.memory_space<vmem>> -> memref<128x128xf32, #tpu.memory_space<vmem>>
      %dma_start3A_439 = arith.constant 0 : i32
      %dma_start3A_440 = tpu.memref_slice %arg4[%add3A_417, %dma_start3A_439] : memref<65536x128xf32, #tpu.memory_space<hbm>> -> memref<128x128xf32, #tpu.memory_space<hbm>>
      %dma_start3A_441 = arith.constant 0 : i32
      %dma_start3A_442 = tpu.memref_slice %arg4[%add3A_417, %dma_start3A_441] : memref<65536x128xf32, #tpu.memory_space<hbm>> -> memref<128x128xf32, #tpu.memory_space<hbm>>
      %dma_start3A_443 = arith.constant 0 : i32
      %dma_start3A_444 = arith.constant 0 : i32
      %dma_start3A_445 = tpu.memref_slice %arg6[%run_scoped3A_418, %dma_start3A_443, %dma_start3A_444] : memref<2x128x128xf32, #tpu.memory_space<vmem>> -> memref<1x128x128xf32, #tpu.memory_space<vmem>>
      %dma_start3A_446 = tpu.memref_squeeze %dma_start3A_445 : memref<1x128x128xf32, #tpu.memory_space<vmem>> -> memref<128x128xf32, #tpu.memory_space<vmem>>
      tpu.enqueue_dma source(%dma_start3A_446 : memref<128x128xf32, #tpu.memory_space<vmem>>) target(%dma_start3A_442 : memref<128x128xf32, #tpu.memory_space<hbm>>) target_semaphore(%run_scoped3A_434 : memref<!tpu.dma_semaphore, #tpu.memory_space<semaphore_mem>>)
      %dma_wait3A_447 = arith.constant 0 : i32
      %dma_wait3A_448 = arith.constant 0 : i32
      %dma_wait3A_449 = tpu.memref_slice %arg6[%run_scoped3A_418, %dma_wait3A_447, %dma_wait3A_448] : memref<2x128x128xf32, #tpu.memory_space<vmem>> -> memref<1x128x128xf32, #tpu.memory_space<vmem>>
      %dma_wait3A_450 = tpu.memref_squeeze %dma_wait3A_449 : memref<1x128x128xf32, #tpu.memory_space<vmem>> -> memref<128x128xf32, #tpu.memory_space<vmem>>
      %dma_wait3A_451 = arith.constant 0 : i32
      %dma_wait3A_452 = tpu.memref_slice %arg4[%add3A_417, %dma_wait3A_451] : memref<65536x128xf32, #tpu.memory_space<hbm>> -> memref<128x128xf32, #tpu.memory_space<hbm>>
      %dma_wait3A_453 = arith.constant 0 : i32
      %dma_wait3A_454 = tpu.memref_slice %arg4[%add3A_417, %dma_wait3A_453] : memref<65536x128xf32, #tpu.memory_space<hbm>> -> memref<128x128xf32, #tpu.memory_space<hbm>>
      %dma_wait3A_455 = arith.constant 0 : i32
      %dma_wait3A_456 = arith.constant 0 : i32
      %dma_wait3A_457 = tpu.memref_slice %arg6[%run_scoped3A_418, %dma_wait3A_455, %dma_wait3A_456] : memref<2x128x128xf32, #tpu.memory_space<vmem>> -> memref<1x128x128xf32, #tpu.memory_space<vmem>>
      %dma_wait3A_458 = tpu.memref_squeeze %dma_wait3A_457 : memref<1x128x128xf32, #tpu.memory_space<vmem>> -> memref<128x128xf32, #tpu.memory_space<vmem>>
      tpu.wait_dma2 semaphore(%run_scoped3A_434 : memref<!tpu.dma_semaphore, #tpu.memory_space<semaphore_mem>>) src(%dma_wait3A_458 : memref<128x128xf32, #tpu.memory_space<vmem>>) dst(%dma_wait3A_454 : memref<128x128xf32, #tpu.memory_space<hbm>>)
      tpu.yield
    }) : () -> ()
    %dma_wait3A_419 = arith.constant 15 : i32
    %dma_wait3A_420 = arith.constant 1 : i32
    %dma_wait3A_421 = arith.constant 0 : i32
    %dma_wait3A_422 = arith.constant 0 : i32
    %dma_wait3A_423 = tpu.memref_slice %arg6[%dma_wait3A_420, %dma_wait3A_421, %dma_wait3A_422] : memref<2x128x128xf32, #tpu.memory_space<vmem>> -> memref<1x128x128xf32, #tpu.memory_space<vmem>>
    %dma_wait3A_424 = tpu.memref_squeeze %dma_wait3A_423 : memref<1x128x128xf32, #tpu.memory_space<vmem>> -> memref<128x128xf32, #tpu.memory_space<vmem>>
    %dma_wait3A_425 = arith.constant 0 : i32
    %dma_wait3A_426 = tpu.memref_slice %arg5[%dma_wait3A_419, %dma_wait3A_425] : memref<16x128xi32, #tpu.memory_space<vmem>> -> memref<1x128xi32, #tpu.memory_space<vmem>>
    %dma_wait3A_427 = tpu.memref_squeeze %dma_wait3A_426 : memref<1x128xi32, #tpu.memory_space<vmem>> -> memref<128xi32, #tpu.memory_space<vmem>>
    %dma_wait3A_428 = arith.constant 0 : i32
    %dma_wait3A_429 = arith.constant 0 : i32
    %dma_wait3A_430 = tpu.memref_slice %arg3[%dma_wait3A_428, %dma_wait3A_429] : memref<30522x128xf32, #tpu.memory_space<hbm>> -> memref<30522x128xf32, #tpu.memory_space<hbm>>
    tpu.wait_indirect_dma semaphore(%arg8 : memref<!tpu.dma_semaphore, #tpu.memory_space<semaphore_mem>>) src(%dma_wait3A_430 : memref<30522x128xf32, #tpu.memory_space<hbm>>) dst(%dma_wait3A_424 : memref<128x128xf32, #tpu.memory_space<vmem>>)
    %add3A_431 = arith.constant 1920 : i32
    %add3A_432 = arith.addi %mul3A_4, %add3A_431 : i32
    %run_scoped3A_433 = arith.constant 1 : i32
    "tpu.region"() ({
      %run_scoped3A_434 = tpu.sem_alloc : memref<!tpu.dma_semaphore, #tpu.memory_space<semaphore_mem>>
      %dma_start3A_435 = arith.constant 0 : i32
      %dma_start3A_436 = arith.constant 0 : i32
      %dma_start3A_437 = tpu.memref_slice %arg6[%run_scoped3A_433, %dma_start3A_435, %dma_start3A_436] : memref<2x128x128xf32, #tpu.memory_space<vmem>> -> memref<1x128x128xf32, #tpu.memory_space<vmem>>
      %dma_start3A_438 = tpu.memref_squeeze %dma_start3A_437 : memref<1x128x128xf32, #tpu.memory_space<vmem>> -> memref<128x128xf32, #tpu.memory_space<vmem>>
      %dma_start3A_439 = arith.constant 0 : i32
      %dma_start3A_440 = tpu.memref_slice %arg4[%add3A_432, %dma_start3A_439] : memref<65536x128xf32, #tpu.memory_space<hbm>> -> memref<128x128xf32, #tpu.memory_space<hbm>>
      %dma_start3A_441 = arith.constant 0 : i32
      %dma_start3A_442 = tpu.memref_slice %arg4[%add3A_432, %dma_start3A_441] : memref<65536x128xf32, #tpu.memory_space<hbm>> -> memref<128x128xf32, #tpu.memory_space<hbm>>
      %dma_start3A_443 = arith.constant 0 : i32
      %dma_start3A_444 = arith.constant 0 : i32
      %dma_start3A_445 = tpu.memref_slice %arg6[%run_scoped3A_433, %dma_start3A_443, %dma_start3A_444] : memref<2x128x128xf32, #tpu.memory_space<vmem>> -> memref<1x128x128xf32, #tpu.memory_space<vmem>>
      %dma_start3A_446 = tpu.memref_squeeze %dma_start3A_445 : memref<1x128x128xf32, #tpu.memory_space<vmem>> -> memref<128x128xf32, #tpu.memory_space<vmem>>
      tpu.enqueue_dma source(%dma_start3A_446 : memref<128x128xf32, #tpu.memory_space<vmem>>) target(%dma_start3A_442 : memref<128x128xf32, #tpu.memory_space<hbm>>) target_semaphore(%run_scoped3A_434 : memref<!tpu.dma_semaphore, #tpu.memory_space<semaphore_mem>>)
      %dma_wait3A_447 = arith.constant 0 : i32
      %dma_wait3A_448 = arith.constant 0 : i32
      %dma_wait3A_449 = tpu.memref_slice %arg6[%run_scoped3A_433, %dma_wait3A_447, %dma_wait3A_448] : memref<2x128x128xf32, #tpu.memory_space<vmem>> -> memref<1x128x128xf32, #tpu.memory_space<vmem>>
      %dma_wait3A_450 = tpu.memref_squeeze %dma_wait3A_449 : memref<1x128x128xf32, #tpu.memory_space<vmem>> -> memref<128x128xf32, #tpu.memory_space<vmem>>
      %dma_wait3A_451 = arith.constant 0 : i32
      %dma_wait3A_452 = tpu.memref_slice %arg4[%add3A_432, %dma_wait3A_451] : memref<65536x128xf32, #tpu.memory_space<hbm>> -> memref<128x128xf32, #tpu.memory_space<hbm>>
      %dma_wait3A_453 = arith.constant 0 : i32
      %dma_wait3A_454 = tpu.memref_slice %arg4[%add3A_432, %dma_wait3A_453] : memref<65536x128xf32, #tpu.memory_space<hbm>> -> memref<128x128xf32, #tpu.memory_space<hbm>>
      %dma_wait3A_455 = arith.constant 0 : i32
      %dma_wait3A_456 = arith.constant 0 : i32
      %dma_wait3A_457 = tpu.memref_slice %arg6[%run_scoped3A_433, %dma_wait3A_455, %dma_wait3A_456] : memref<2x128x128xf32, #tpu.memory_space<vmem>> -> memref<1x128x128xf32, #tpu.memory_space<vmem>>
      %dma_wait3A_458 = tpu.memref_squeeze %dma_wait3A_457 : memref<1x128x128xf32, #tpu.memory_space<vmem>> -> memref<128x128xf32, #tpu.memory_space<vmem>>
      tpu.wait_dma2 semaphore(%run_scoped3A_434 : memref<!tpu.dma_semaphore, #tpu.memory_space<semaphore_mem>>) src(%dma_wait3A_458 : memref<128x128xf32, #tpu.memory_space<vmem>>) dst(%dma_wait3A_454 : memref<128x128xf32, #tpu.memory_space<hbm>>)
      tpu.yield
    }) : () -> ()
    return
  }
}

module attributes {stable_mosaic.version = 14 : i64} {
  func.func @_tc_body(%arg0: i32, %arg1: memref<2048x128xf32, #tpu.memory_space<vmem>>, %arg2: memref<512x128xf32, #tpu.memory_space<vmem>>, %arg3: memref<480x128xf32, #tpu.memory_space<vmem>>, %arg4: memref<480x1xf32, #tpu.memory_space<vmem>>, %arg5: memref<480x1xf32, #tpu.memory_space<vmem>>, %arg6: memref<480x1xf32, #tpu.memory_space<vmem>>, %arg7: memref<4x480x512xf32, #tpu.memory_space<vmem>>) attributes {dimension_semantics = [#tpu.dimension_semantics<arbitrary>], iteration_bounds = array<i64: 32>, scalar_prefetch = 0 : i64, scratch_operands = 0 : i64, tpu.core_type = #tpu.core_type<tc>, window_params = [{transform_indices = @transform_0, window_bounds = array<i64: 2048, 128>}, {pipeline_mode = #tpu.pipeline_mode<synchronous>, transform_indices = @transform_1, window_bounds = array<i64: 512, 128>}, {pipeline_mode = #tpu.pipeline_mode<synchronous>, transform_indices = @transform_2, window_bounds = array<i64: 480, 128>}, {pipeline_mode = #tpu.pipeline_mode<synchronous>, transform_indices = @transform_3, window_bounds = array<i64: 480, 1>}, {pipeline_mode = #tpu.pipeline_mode<synchronous>, transform_indices = @transform_4, window_bounds = array<i64: 480, 1>}, {pipeline_mode = #tpu.pipeline_mode<synchronous>, transform_indices = @transform_5, window_bounds = array<i64: 480, 1>}, {transform_indices = @transform_6, window_bounds = array<i64: 4, 480, 512>}]} {
    %get3A = arith.constant 0 : index
    %get3A_0 = arith.constant 0 : index
    %get3A_1 = vector.load %arg3[%get3A, %get3A_0] : memref<480x128xf32, #tpu.memory_space<vmem>>, vector<480x128xf32>
    %get3A_2 = arith.constant 0 : index
    %get3A_3 = arith.constant 0 : index
    %get3A_4 = vector.load %arg1[%get3A_2, %get3A_3] : memref<2048x128xf32, #tpu.memory_space<vmem>>, vector<512x128xf32>
    %get3A_5 = arith.constant 0 : index
    %get3A_6 = arith.constant 0 : index
    %get3A_7 = vector.load %arg2[%get3A_5, %get3A_6] : memref<512x128xf32, #tpu.memory_space<vmem>>, vector<512x128xf32>
    %add3A = arith.addf %get3A_4, %get3A_7 : vector<512x128xf32>
    %dot_general3A = arith.constant dense<0.000000e+00> : vector<480x512xf32>
    %dot_general3A_8 = tpu.matmul %get3A_1, %add3A, %dot_general3A {dimension_numbers = #tpu.dot_dimension_numbers<[1], [1], [0], [0], [0, 0, 1, 0], [], []>, transpose_lhs_hint = false} : vector<480x128xf32>, vector<512x128xf32>, vector<480x512xf32> -> vector<480x512xf32>
    %get3A_9 = arith.constant 0 : index
    %get3A_10 = arith.constant 0 : index
    %get3A_11 = vector.load %arg4[%get3A_9, %get3A_10] : memref<480x1xf32, #tpu.memory_space<vmem>>, vector<480x1xf32>
    %add3A_12 = vector.broadcast %get3A_11 : vector<480x1xf32> to vector<480x512xf32>
    %add3A_13 = arith.addf %dot_general3A_8, %add3A_12 : vector<480x512xf32>
    %reduce_sum3A = arith.constant dense<0.000000e+00> : vector<512xf32>
    %reduce_sum3A_14 = vector.multi_reduction <add>, %add3A_13, %reduce_sum3A [0] : vector<480x512xf32> to vector<512xf32>
    %broadcast_in_dim3A = vector.shape_cast %reduce_sum3A_14 : vector<512xf32> to vector<1x512xf32>
    %div3A = arith.constant 4.800000e+02 : f32
    %div3A_15 = vector.broadcast %div3A : f32 to vector<1x512xf32>
    %div3A_16 = arith.divf %broadcast_in_dim3A, %div3A_15 : vector<1x512xf32>
    %sub3A = vector.broadcast %div3A_16 : vector<1x512xf32> to vector<480x512xf32>
    %sub3A_17 = arith.subf %add3A_13, %sub3A : vector<480x512xf32>
    %mul3A = arith.mulf %sub3A_17, %sub3A_17 : vector<480x512xf32>
    %reduce_sum3A_18 = arith.constant dense<0.000000e+00> : vector<512xf32>
    %reduce_sum3A_19 = vector.multi_reduction <add>, %mul3A, %reduce_sum3A_18 [0] : vector<480x512xf32> to vector<512xf32>
    %broadcast_in_dim3A_20 = vector.shape_cast %reduce_sum3A_19 : vector<512xf32> to vector<1x512xf32>
    %div3A_21 = arith.constant 4.800000e+02 : f32
    %div3A_22 = vector.broadcast %div3A_21 : f32 to vector<1x512xf32>
    %div3A_23 = arith.divf %broadcast_in_dim3A_20, %div3A_22 : vector<1x512xf32>
    %add3A_24 = arith.constant 9.99999971E-10 : f32
    %add3A_25 = vector.broadcast %add3A_24 : f32 to vector<1x512xf32>
    %add3A_26 = arith.addf %div3A_23, %add3A_25 : vector<1x512xf32>
    %rsqrt3A = math.rsqrt %add3A_26 : vector<1x512xf32>
    %mul3A_27 = vector.broadcast %rsqrt3A : vector<1x512xf32> to vector<480x512xf32>
    %mul3A_28 = arith.mulf %sub3A_17, %mul3A_27 : vector<480x512xf32>
    %get3A_29 = arith.constant 0 : index
    %get3A_30 = arith.constant 0 : index
    %get3A_31 = vector.load %arg5[%get3A_29, %get3A_30] : memref<480x1xf32, #tpu.memory_space<vmem>>, vector<480x1xf32>
    %mul3A_32 = vector.broadcast %get3A_31 : vector<480x1xf32> to vector<480x512xf32>
    %mul3A_33 = arith.mulf %mul3A_28, %mul3A_32 : vector<480x512xf32>
    %get3A_34 = arith.constant 0 : index
    %get3A_35 = arith.constant 0 : index
    %get3A_36 = vector.load %arg6[%get3A_34, %get3A_35] : memref<480x1xf32, #tpu.memory_space<vmem>>, vector<480x1xf32>
    %add3A_37 = vector.broadcast %get3A_36 : vector<480x1xf32> to vector<480x512xf32>
    %add3A_38 = arith.addf %mul3A_33, %add3A_37 : vector<480x512xf32>
    %swap3A = arith.constant 0 : index
    %swap3A_39 = arith.constant 0 : index
    %swap3A_40 = arith.constant 0 : index
    %swap3A_41 = vector.load %arg7[%swap3A, %swap3A_39, %swap3A_40] : memref<4x480x512xf32, #tpu.memory_space<vmem>>, vector<1x480x512xf32>
    %swap3A_42 = vector.shape_cast %swap3A_41 : vector<1x480x512xf32> to vector<480x512xf32>
    %swap3A_43 = vector.shape_cast %add3A_38 : vector<480x512xf32> to vector<1x480x512xf32>
    tpu.vector_store %arg7[%swap3A, %swap3A_39, %swap3A_40], %swap3A_43 {strides = array<i32>} : memref<4x480x512xf32, #tpu.memory_space<vmem>>, vector<1x480x512xf32>,
    %get3A_44 = arith.constant 512 : index
    %get3A_45 = arith.constant 0 : index
    %get3A_46 = vector.load %arg1[%get3A_44, %get3A_45] : memref<2048x128xf32, #tpu.memory_space<vmem>>, vector<512x128xf32>
    %get3A_47 = arith.constant 0 : index
    %get3A_48 = arith.constant 0 : index
    %get3A_49 = vector.load %arg2[%get3A_47, %get3A_48] : memref<512x128xf32, #tpu.memory_space<vmem>>, vector<512x128xf32>
    %add3A_50 = arith.addf %get3A_46, %get3A_49 : vector<512x128xf32>
    %dot_general3A_51 = arith.constant dense<0.000000e+00> : vector<480x512xf32>
    %dot_general3A_52 = tpu.matmul %get3A_1, %add3A_50, %dot_general3A_51 {dimension_numbers = #tpu.dot_dimension_numbers<[1], [1], [0], [0], [0, 0, 1, 0], [], []>, transpose_lhs_hint = false} : vector<480x128xf32>, vector<512x128xf32>, vector<480x512xf32> -> vector<480x512xf32>
    %get3A_53 = arith.constant 0 : index
    %get3A_54 = arith.constant 0 : index
    %get3A_55 = vector.load %arg4[%get3A_53, %get3A_54] : memref<480x1xf32, #tpu.memory_space<vmem>>, vector<480x1xf32>
    %add3A_56 = vector.broadcast %get3A_55 : vector<480x1xf32> to vector<480x512xf32>
    %add3A_57 = arith.addf %dot_general3A_52, %add3A_56 : vector<480x512xf32>
    %reduce_sum3A_58 = arith.constant dense<0.000000e+00> : vector<512xf32>
    %reduce_sum3A_59 = vector.multi_reduction <add>, %add3A_57, %reduce_sum3A_58 [0] : vector<480x512xf32> to vector<512xf32>
    %broadcast_in_dim3A_60 = vector.shape_cast %reduce_sum3A_59 : vector<512xf32> to vector<1x512xf32>
    %div3A_61 = arith.constant 4.800000e+02 : f32
    %div3A_62 = vector.broadcast %div3A_61 : f32 to vector<1x512xf32>
    %div3A_63 = arith.divf %broadcast_in_dim3A_60, %div3A_62 : vector<1x512xf32>
    %sub3A_64 = vector.broadcast %div3A_63 : vector<1x512xf32> to vector<480x512xf32>
    %sub3A_65 = arith.subf %add3A_57, %sub3A_64 : vector<480x512xf32>
    %mul3A_66 = arith.mulf %sub3A_65, %sub3A_65 : vector<480x512xf32>
    %reduce_sum3A_67 = arith.constant dense<0.000000e+00> : vector<512xf32>
    %reduce_sum3A_68 = vector.multi_reduction <add>, %mul3A_66, %reduce_sum3A_67 [0] : vector<480x512xf32> to vector<512xf32>
    %broadcast_in_dim3A_69 = vector.shape_cast %reduce_sum3A_68 : vector<512xf32> to vector<1x512xf32>
    %div3A_70 = arith.constant 4.800000e+02 : f32
    %div3A_71 = vector.broadcast %div3A_70 : f32 to vector<1x512xf32>
    %div3A_72 = arith.divf %broadcast_in_dim3A_69, %div3A_71 : vector<1x512xf32>
    %add3A_73 = arith.constant 9.99999971E-10 : f32
    %add3A_74 = vector.broadcast %add3A_73 : f32 to vector<1x512xf32>
    %add3A_75 = arith.addf %div3A_72, %add3A_74 : vector<1x512xf32>
    %rsqrt3A_76 = math.rsqrt %add3A_75 : vector<1x512xf32>
    %mul3A_77 = vector.broadcast %rsqrt3A_76 : vector<1x512xf32> to vector<480x512xf32>
    %mul3A_78 = arith.mulf %sub3A_65, %mul3A_77 : vector<480x512xf32>
    %get3A_79 = arith.constant 0 : index
    %get3A_80 = arith.constant 0 : index
    %get3A_81 = vector.load %arg5[%get3A_79, %get3A_80] : memref<480x1xf32, #tpu.memory_space<vmem>>, vector<480x1xf32>
    %mul3A_82 = vector.broadcast %get3A_81 : vector<480x1xf32> to vector<480x512xf32>
    %mul3A_83 = arith.mulf %mul3A_78, %mul3A_82 : vector<480x512xf32>
    %get3A_84 = arith.constant 0 : index
    %get3A_85 = arith.constant 0 : index
    %get3A_86 = vector.load %arg6[%get3A_84, %get3A_85] : memref<480x1xf32, #tpu.memory_space<vmem>>, vector<480x1xf32>
    %add3A_87 = vector.broadcast %get3A_86 : vector<480x1xf32> to vector<480x512xf32>
    %add3A_88 = arith.addf %mul3A_83, %add3A_87 : vector<480x512xf32>
    %swap3A_89 = arith.constant 1 : index
    %swap3A_90 = arith.constant 0 : index
    %swap3A_91 = arith.constant 0 : index
    %swap3A_92 = vector.load %arg7[%swap3A_89, %swap3A_90, %swap3A_91] : memref<4x480x512xf32, #tpu.memory_space<vmem>>, vector<1x480x512xf32>
    %swap3A_93 = vector.shape_cast %swap3A_92 : vector<1x480x512xf32> to vector<480x512xf32>
    %swap3A_94 = vector.shape_cast %add3A_88 : vector<480x512xf32> to vector<1x480x512xf32>
    tpu.vector_store %arg7[%swap3A_89, %swap3A_90, %swap3A_91], %swap3A_94 {strides = array<i32>} : memref<4x480x512xf32, #tpu.memory_space<vmem>>, vector<1x480x512xf32>,
    %get3A_95 = arith.constant 1024 : index
    %get3A_96 = arith.constant 0 : index
    %get3A_97 = vector.load %arg1[%get3A_95, %get3A_96] : memref<2048x128xf32, #tpu.memory_space<vmem>>, vector<512x128xf32>
    %get3A_98 = arith.constant 0 : index
    %get3A_99 = arith.constant 0 : index
    %get3A_100 = vector.load %arg2[%get3A_98, %get3A_99] : memref<512x128xf32, #tpu.memory_space<vmem>>, vector<512x128xf32>
    %add3A_101 = arith.addf %get3A_97, %get3A_100 : vector<512x128xf32>
    %dot_general3A_102 = arith.constant dense<0.000000e+00> : vector<480x512xf32>
    %dot_general3A_103 = tpu.matmul %get3A_1, %add3A_101, %dot_general3A_102 {dimension_numbers = #tpu.dot_dimension_numbers<[1], [1], [0], [0], [0, 0, 1, 0], [], []>, transpose_lhs_hint = false} : vector<480x128xf32>, vector<512x128xf32>, vector<480x512xf32> -> vector<480x512xf32>
    %get3A_104 = arith.constant 0 : index
    %get3A_105 = arith.constant 0 : index
    %get3A_106 = vector.load %arg4[%get3A_104, %get3A_105] : memref<480x1xf32, #tpu.memory_space<vmem>>, vector<480x1xf32>
    %add3A_107 = vector.broadcast %get3A_106 : vector<480x1xf32> to vector<480x512xf32>
    %add3A_108 = arith.addf %dot_general3A_103, %add3A_107 : vector<480x512xf32>
    %reduce_sum3A_109 = arith.constant dense<0.000000e+00> : vector<512xf32>
    %reduce_sum3A_110 = vector.multi_reduction <add>, %add3A_108, %reduce_sum3A_109 [0] : vector<480x512xf32> to vector<512xf32>
    %broadcast_in_dim3A_111 = vector.shape_cast %reduce_sum3A_110 : vector<512xf32> to vector<1x512xf32>
    %div3A_112 = arith.constant 4.800000e+02 : f32
    %div3A_113 = vector.broadcast %div3A_112 : f32 to vector<1x512xf32>
    %div3A_114 = arith.divf %broadcast_in_dim3A_111, %div3A_113 : vector<1x512xf32>
    %sub3A_115 = vector.broadcast %div3A_114 : vector<1x512xf32> to vector<480x512xf32>
    %sub3A_116 = arith.subf %add3A_108, %sub3A_115 : vector<480x512xf32>
    %mul3A_117 = arith.mulf %sub3A_116, %sub3A_116 : vector<480x512xf32>
    %reduce_sum3A_118 = arith.constant dense<0.000000e+00> : vector<512xf32>
    %reduce_sum3A_119 = vector.multi_reduction <add>, %mul3A_117, %reduce_sum3A_118 [0] : vector<480x512xf32> to vector<512xf32>
    %broadcast_in_dim3A_120 = vector.shape_cast %reduce_sum3A_119 : vector<512xf32> to vector<1x512xf32>
    %div3A_121 = arith.constant 4.800000e+02 : f32
    %div3A_122 = vector.broadcast %div3A_121 : f32 to vector<1x512xf32>
    %div3A_123 = arith.divf %broadcast_in_dim3A_120, %div3A_122 : vector<1x512xf32>
    %add3A_124 = arith.constant 9.99999971E-10 : f32
    %add3A_125 = vector.broadcast %add3A_124 : f32 to vector<1x512xf32>
    %add3A_126 = arith.addf %div3A_123, %add3A_125 : vector<1x512xf32>
    %rsqrt3A_127 = math.rsqrt %add3A_126 : vector<1x512xf32>
    %mul3A_128 = vector.broadcast %rsqrt3A_127 : vector<1x512xf32> to vector<480x512xf32>
    %mul3A_129 = arith.mulf %sub3A_116, %mul3A_128 : vector<480x512xf32>
    %get3A_130 = arith.constant 0 : index
    %get3A_131 = arith.constant 0 : index
    %get3A_132 = vector.load %arg5[%get3A_130, %get3A_131] : memref<480x1xf32, #tpu.memory_space<vmem>>, vector<480x1xf32>
    %mul3A_133 = vector.broadcast %get3A_132 : vector<480x1xf32> to vector<480x512xf32>
    %mul3A_134 = arith.mulf %mul3A_129, %mul3A_133 : vector<480x512xf32>
    %get3A_135 = arith.constant 0 : index
    %get3A_136 = arith.constant 0 : index
    %get3A_137 = vector.load %arg6[%get3A_135, %get3A_136] : memref<480x1xf32, #tpu.memory_space<vmem>>, vector<480x1xf32>
    %add3A_138 = vector.broadcast %get3A_137 : vector<480x1xf32> to vector<480x512xf32>
    %add3A_139 = arith.addf %mul3A_134, %add3A_138 : vector<480x512xf32>
    %swap3A_140 = arith.constant 2 : index
    %swap3A_141 = arith.constant 0 : index
    %swap3A_142 = arith.constant 0 : index
    %swap3A_143 = vector.load %arg7[%swap3A_140, %swap3A_141, %swap3A_142] : memref<4x480x512xf32, #tpu.memory_space<vmem>>, vector<1x480x512xf32>
    %swap3A_144 = vector.shape_cast %swap3A_143 : vector<1x480x512xf32> to vector<480x512xf32>
    %swap3A_145 = vector.shape_cast %add3A_139 : vector<480x512xf32> to vector<1x480x512xf32>
    tpu.vector_store %arg7[%swap3A_140, %swap3A_141, %swap3A_142], %swap3A_145 {strides = array<i32>} : memref<4x480x512xf32, #tpu.memory_space<vmem>>, vector<1x480x512xf32>,
    %get3A_146 = arith.constant 1536 : index
    %get3A_147 = arith.constant 0 : index
    %get3A_148 = vector.load %arg1[%get3A_146, %get3A_147] : memref<2048x128xf32, #tpu.memory_space<vmem>>, vector<512x128xf32>
    %get3A_149 = arith.constant 0 : index
    %get3A_150 = arith.constant 0 : index
    %get3A_151 = vector.load %arg2[%get3A_149, %get3A_150] : memref<512x128xf32, #tpu.memory_space<vmem>>, vector<512x128xf32>
    %add3A_152 = arith.addf %get3A_148, %get3A_151 : vector<512x128xf32>
    %dot_general3A_153 = arith.constant dense<0.000000e+00> : vector<480x512xf32>
    %dot_general3A_154 = tpu.matmul %get3A_1, %add3A_152, %dot_general3A_153 {dimension_numbers = #tpu.dot_dimension_numbers<[1], [1], [0], [0], [0, 0, 1, 0], [], []>, transpose_lhs_hint = false} : vector<480x128xf32>, vector<512x128xf32>, vector<480x512xf32> -> vector<480x512xf32>
    %get3A_155 = arith.constant 0 : index
    %get3A_156 = arith.constant 0 : index
    %get3A_157 = vector.load %arg4[%get3A_155, %get3A_156] : memref<480x1xf32, #tpu.memory_space<vmem>>, vector<480x1xf32>
    %add3A_158 = vector.broadcast %get3A_157 : vector<480x1xf32> to vector<480x512xf32>
    %add3A_159 = arith.addf %dot_general3A_154, %add3A_158 : vector<480x512xf32>
    %reduce_sum3A_160 = arith.constant dense<0.000000e+00> : vector<512xf32>
    %reduce_sum3A_161 = vector.multi_reduction <add>, %add3A_159, %reduce_sum3A_160 [0] : vector<480x512xf32> to vector<512xf32>
    %broadcast_in_dim3A_162 = vector.shape_cast %reduce_sum3A_161 : vector<512xf32> to vector<1x512xf32>
    %div3A_163 = arith.constant 4.800000e+02 : f32
    %div3A_164 = vector.broadcast %div3A_163 : f32 to vector<1x512xf32>
    %div3A_165 = arith.divf %broadcast_in_dim3A_162, %div3A_164 : vector<1x512xf32>
    %sub3A_166 = vector.broadcast %div3A_165 : vector<1x512xf32> to vector<480x512xf32>
    %sub3A_167 = arith.subf %add3A_159, %sub3A_166 : vector<480x512xf32>
    %mul3A_168 = arith.mulf %sub3A_167, %sub3A_167 : vector<480x512xf32>
    %reduce_sum3A_169 = arith.constant dense<0.000000e+00> : vector<512xf32>
    %reduce_sum3A_170 = vector.multi_reduction <add>, %mul3A_168, %reduce_sum3A_169 [0] : vector<480x512xf32> to vector<512xf32>
    %broadcast_in_dim3A_171 = vector.shape_cast %reduce_sum3A_170 : vector<512xf32> to vector<1x512xf32>
    %div3A_172 = arith.constant 4.800000e+02 : f32
    %div3A_173 = vector.broadcast %div3A_172 : f32 to vector<1x512xf32>
    %div3A_174 = arith.divf %broadcast_in_dim3A_171, %div3A_173 : vector<1x512xf32>
    %add3A_175 = arith.constant 9.99999971E-10 : f32
    %add3A_176 = vector.broadcast %add3A_175 : f32 to vector<1x512xf32>
    %add3A_177 = arith.addf %div3A_174, %add3A_176 : vector<1x512xf32>
    %rsqrt3A_178 = math.rsqrt %add3A_177 : vector<1x512xf32>
    %mul3A_179 = vector.broadcast %rsqrt3A_178 : vector<1x512xf32> to vector<480x512xf32>
    %mul3A_180 = arith.mulf %sub3A_167, %mul3A_179 : vector<480x512xf32>
    %get3A_181 = arith.constant 0 : index
    %get3A_182 = arith.constant 0 : index
    %get3A_183 = vector.load %arg5[%get3A_181, %get3A_182] : memref<480x1xf32, #tpu.memory_space<vmem>>, vector<480x1xf32>
    %mul3A_184 = vector.broadcast %get3A_183 : vector<480x1xf32> to vector<480x512xf32>
    %mul3A_185 = arith.mulf %mul3A_180, %mul3A_184 : vector<480x512xf32>
    %get3A_186 = arith.constant 0 : index
    %get3A_187 = arith.constant 0 : index
    %get3A_188 = vector.load %arg6[%get3A_186, %get3A_187] : memref<480x1xf32, #tpu.memory_space<vmem>>, vector<480x1xf32>
    %add3A_189 = vector.broadcast %get3A_188 : vector<480x1xf32> to vector<480x512xf32>
    %add3A_190 = arith.addf %mul3A_185, %add3A_189 : vector<480x512xf32>
    %swap3A_191 = arith.constant 3 : index
    %swap3A_192 = arith.constant 0 : index
    %swap3A_193 = arith.constant 0 : index
    %swap3A_194 = vector.load %arg7[%swap3A_191, %swap3A_192, %swap3A_193] : memref<4x480x512xf32, #tpu.memory_space<vmem>>, vector<1x480x512xf32>
    %swap3A_195 = vector.shape_cast %swap3A_194 : vector<1x480x512xf32> to vector<480x512xf32>
    %swap3A_196 = vector.shape_cast %add3A_190 : vector<480x512xf32> to vector<1x480x512xf32>
    tpu.vector_store %arg7[%swap3A_191, %swap3A_192, %swap3A_193], %swap3A_196 {strides = array<i32>} : memref<4x480x512xf32, #tpu.memory_space<vmem>>, vector<1x480x512xf32>,
    return
  }
  func.func @transform_0(%arg0: i32) -> (i32, i32) {
    %c0_i32 = arith.constant 0 : i32
    %c0_i32_0 = arith.constant 0 : i32
    return %arg0, %c0_i32 : i32, i32
  }
  func.func @transform_1(%arg0: i32) -> (i32, i32) {
    %c0_i32 = arith.constant 0 : i32
    %c0_i32_0 = arith.constant 0 : i32
    %c0_i32_1 = arith.constant 0 : i32
    return %c0_i32, %c0_i32_0 : i32, i32
  }
  func.func @transform_2(%arg0: i32) -> (i32, i32) {
    %c0_i32 = arith.constant 0 : i32
    %c0_i32_0 = arith.constant 0 : i32
    %c0_i32_1 = arith.constant 0 : i32
    return %c0_i32, %c0_i32_0 : i32, i32
  }
  func.func @transform_3(%arg0: i32) -> (i32, i32) {
    %c0_i32 = arith.constant 0 : i32
    %c0_i32_0 = arith.constant 0 : i32
    %c0_i32_1 = arith.constant 0 : i32
    return %c0_i32, %c0_i32_0 : i32, i32
  }
  func.func @transform_4(%arg0: i32) -> (i32, i32) {
    %c0_i32 = arith.constant 0 : i32
    %c0_i32_0 = arith.constant 0 : i32
    %c0_i32_1 = arith.constant 0 : i32
    return %c0_i32, %c0_i32_0 : i32, i32
  }
  func.func @transform_5(%arg0: i32) -> (i32, i32) {
    %c0_i32 = arith.constant 0 : i32
    %c0_i32_0 = arith.constant 0 : i32
    %c0_i32_1 = arith.constant 0 : i32
    return %c0_i32, %c0_i32_0 : i32, i32
  }
  func.func @transform_6(%arg0: i32) -> (i32, i32, i32) {
    %c0_i32 = arith.constant 0 : i32
    %c0_i32_0 = arith.constant 0 : i32
    %c0_i32_1 = arith.constant 0 : i32
    return %arg0, %c0_i32, %c0_i32_0 : i32, i32, i32
  }
}

</mosaic_0001>

<sc_bundles>
// kernel: kernel.4.cloned.1.call-start
scs
__scs_entry_jumppad:
0x0: {  	(pc) =	sbr.rel $0x88, $3  }
0x1: {  	(tag) =	ssettag $0x0;
	lr =	simm.s32 $0x1  }
0x2: {  	[smem:$0x3F9A] =	sst lr;
	_ =	strace $0xD0000000  }
0x3: {  	_ = 	snop  }
0x4: {  	_ = 	snop  }
0x5: {  	_ = 	snop  }
0x6: {  	_ = 	snop  }
0x7: {  	_ = 	snop  }
__scs_overlays_trampoline_lowered:
0x8: {  	[smem:$0x3FA9] =	sst s0  }
0x9: {  	[smem:$0x3FAA] =	sst s1  }
0xa: {  	[smem:$0x3FAB] =	sst s2  }
0xb: {  	[smem:$0x3FAC] =	sst s3  }
0xc: {  	[smem:$0x3FAD] =	sst s4  }
0xd: {  	[smem:$0x3FAE] =	sst s5  }
0xe: {  	[smem:$0x3FAF] =	sst s6  }
0xf: {  	[smem:$0x3FB0] =	sst s7  }
0x10: {  	[smem:$0x3FB1] =	sst s8  }
0x11: {  	[smem:$0x3FB2] =	sst s9;
	s0 =	simm.s32 @!p0 $0x0  }
0x12: {  	s1 =	sld [smem:$0x3F98];
	s0 =	simm.s32 @p0 $0x1  }
0x13: {  	[smem:$0x3FB3] =	sst s0;
	s0 =	simm.s32 @!p1 $0x0  }
0x14: {  	s2 =	sld [smem:$0x3F97];
	s0 =	simm.s32 @p1 $0x1  }
0x15: {  	[smem:$0x3FB4] =	sst s0;
	s0 =	simm.s32 @!p2 $0x0  }
0x16: {  	s3 =	sld [smem:$0x3FDB];
	s0 =	simm.s32 @p2 $0x1  }
0x17: {  	s4 =	simm.s32 $0x1BF5;
	[smem:$0x3FB6] =	sst s0  }
0x18: {  	s0 =	sld [smem:$0x3F99];
	_ =	swait.ge [sflag:s4], $0x0  }
0x19: {  	s7 =	sld [smem:$0x3F9A]  }
0x1a: {  	s8 =	sadd.s32 $0xFFFFE003, lr  }
0x1b: {  	s9 =	sadd.s32 $0xFFFFFEF7, lr;
	s5 =	simm.s32 $0xFFFFFFFF;
	p2 =	slt.u32 s8, $0xFFFFF086  }
0x1c: {  	p1 =	slt.u32 s9, $0xF7A;
	s5 =	simm.s32 @!p2 $0x0  }
0x1d: {  	s5 =	simm.s32 @p1 $0x1;
	p0 =	seq.s32 s7, s2  }
0x1e: {  	s7 =	smul.u32 @!p0 $0xF7A, s2;
	p2 =	seq.s32 @!p0 s5, $0x0  }
0x1f: {  	s9 =	smul.u32 $0xF7A, s1;
	s8 =	simm.s32 @!p0 $0x1BF5;
	p2 =	por !p2, p0  }
0x20: {  	[sflag:s8] =	ssyncset.s32 @!p0 $0xFFFFF086;
	s6 =	sadd.s32 @!p0 s3, s7;
	s7 =	simm.s32 @!p0 $0x108  }
0x21: {  	s3 =	sadd.s32 s3, s9;
	s6 =	sadd.s32 @!p0 $0x88, s6;
	s7 =	simm.s32 @p2 $0x1082  }
0x22: {  	[simem:s7], [sflag:s8] =	dma.local @!p0 [hbm:s6], $0xF7A  }
0x23: {  	s9 =	sor.u32 $0xD0000000, s2;
	s6 =	simm.s32 $0x108;
	_ =	swait.ge @!p0 [sflag:s8], $0x0  }
0x24: {  	s3 =	sadd.s32 $0x88, s3;
	s6 =	simm.s32 @!p1 $0x1082;
	[sflag:s4] =	ssyncset.s32 $0xFFFFF086  }
0x25: {  	[simem:s6], [sflag:s4] =	dma.local [hbm:s3], $0xF7A  }
0x26: {  	[smem:$0x3F9A] =	sst s1;
	(tag) =	ssettag s2;
	_ =	strace s9  }
0x27: {  	s1 =	sld [smem:$0x3FAA]  }
0x28: {  	s2 =	sld [smem:$0x3FAB]  }
0x29: {  	s4 =	sld [smem:$0x3FAD]  }
0x2a: {  	p0 =	seq.s32 s5, $0x0;
	s5 =	sld [smem:$0x3FAE]  }
0x2b: {  	s6 =	sld [smem:$0x3FAF]  }
0x2c: {  	s7 =	sld [smem:$0x3FB0]  }
0x2d: {  	s3 =	simm.s32 $0x108;
	s8 =	sld [smem:$0x3FB1]  }
0x2e: {  	s3 =	simm.s32 @!p0 $0x1082;
	s9 =	sld [smem:$0x3FB2]  }
0x2f: {  	lr =	sadd.s32 s0, s3;
	s0 =	sld [smem:$0x3FA9]  }
0x30: {  	s3 =	sld [smem:$0x3FAC]  }
0x31: {  	[smem:$0x3FB5] =	sst s10  }
0x32: {  	s10 =	sld [smem:$0x3FB3];
	_ =	sdelay $0x3  }
0x33: {  	p0 =	seq.s32 s10, $0x1;
	s10 =	sld [smem:$0x3FB5];
	_ =	sdelay $0x3  }
0x34: {  	[smem:$0x3FB5] =	sst s10  }
0x35: {  	s10 =	sld [smem:$0x3FB4];
	_ =	sdelay $0x3  }
0x36: {  	p1 =	seq.s32 s10, $0x1;
	s10 =	sld [smem:$0x3FB5];
	_ =	sdelay $0x3  }
0x37: {  	[smem:$0x3FB5] =	sst s10  }
0x38: {  	s10 =	sld [smem:$0x3FB6]  }
0x39: {  	_ = 	snop;
	(pc) =	sbr.ind lr, $3  }
0x3a: {  	_ = 	snop  }
0x3b: {  	_ = 	snop  }
0x3c: {  	p2 =	seq.s32 s10, $0x1;
	s10 =	sld [smem:$0x3FB5]  }
0x3d: {  	_ =	shalt  }
0x3e: {  	_ =	shalt  }
0x3f: {  	_ =	shalt  }
0x40: {  	_ =	shalt  }
0x41: {  	_ =	shalt  }
0x42: {  	_ =	shalt  }
0x43: {  	_ =	shalt  }
0x44: {  	_ =	shalt  }
0x45: {  	_ =	shalt  }
0x46: {  	_ =	shalt  }
0x47: {  	_ =	shalt  }
0x48: {  	_ =	shalt  }
0x49: {  	_ =	shalt  }
0x4a: {  	_ =	shalt  }
0x4b: {  	_ =	shalt  }
0x4c: {  	_ =	shalt  }
0x4d: {  	_ =	shalt  }
0x4e: {  	_ =	shalt  }
0x4f: {  	_ =	shalt  }
0x50: {  	_ =	shalt  }
0x51: {  	_ =	shalt  }
0x52: {  	_ =	shalt  }
0x53: {  	_ =	shalt  }
0x54: {  	_ =	shalt  }
0x55: {  	_ =	shalt  }
0x56: {  	_ =	shalt  }
0x57: {  	_ =	shalt  }
0x58: {  	_ =	shalt  }
0x59: {  	_ =	shalt  }
0x5a: {  	_ =	shalt  }
0x5b: {  	_ =	shalt  }
0x5c: {  	_ =	shalt  }
0x5d: {  	_ =	shalt  }
0x5e: {  	_ =	shalt  }
0x5f: {  	_ =	shalt  }
0x60: {  	_ =	shalt  }
0x61: {  	_ =	shalt  }
0x62: {  	_ =	shalt  }
0x63: {  	_ =	shalt  }
0x64: {  	_ =	shalt  }
0x65: {  	_ =	shalt  }
0x66: {  	_ =	shalt  }
0x67: {  	_ =	shalt  }
0x68: {  	_ =	shalt  }
0x69: {  	_ =	shalt  }
0x6a: {  	_ =	shalt  }
0x6b: {  	_ =	shalt  }
0x6c: {  	_ =	shalt  }
0x6d: {  	_ =	shalt  }
0x6e: {  	_ =	shalt  }
0x6f: {  	_ =	shalt  }
0x70: {  	_ =	shalt  }
0x71: {  	_ =	shalt  }
0x72: {  	_ =	shalt  }
0x73: {  	_ =	shalt  }
0x74: {  	_ =	shalt  }
0x75: {  	_ =	shalt  }
0x76: {  	_ =	shalt  }
0x77: {  	_ =	shalt  }
0x78: {  	_ =	shalt  }
0x79: {  	_ =	shalt  }
0x7a: {  	_ =	shalt  }
0x7b: {  	_ =	shalt  }
0x7c: {  	_ =	shalt  }
0x7d: {  	_ =	shalt  }
0x7e: {  	_ =	shalt  }
0x7f: {  	_ =	shalt  }
0x80: {  	_ =	shalt  }
0x81: {  	_ =	shalt  }
0x82: {  	_ =	shalt  }
0x83: {  	_ =	shalt  }
0x84: {  	_ =	shalt  }
0x85: {  	_ =	shalt  }
0x86: {  	_ =	shalt  }
0x87: {  	_ =	shalt  }
.Lfunc_end0:
.L_simem_size_0:
called_computation_lowered:
.L_overlay_start_0:
0x88: {  	s2 =	sld [smem:$0x3FD9]  }
0x89: {  	s3 =	sld [smem:$0x3FFE];
	_ =	sdelay $0x1  }
0x8a: {  	s1 =	srdreg.scid  }
0x8b: {  	s0 =	sand.u32 $0x1, s1  }
0x8c: {  	s17 =	sshll.u32 s0, $0xA;
	s2 =	sadd.s32 s3, s2  }
0x8d: {  	s2 =	sadd.s32 s2, s17  }
0x8e: {  	[smem:$0x3FC1] =	sst s2  }
0x8f: {  	_ = 	snop  }
0x90: {  	s2 =	sld [smem:$0x3FC8]  }
0x91: {  	s18 =	sld [smem:$0x3FD0];
	(tm) =	ssettm $0x1  }
0x92: {  	s4 =	sld [smem:$0x3FFB];
	_ =	sdelay $0x3  }
0x93: {  	_ =	strace s4  }
0x94: {  	s4 =	sld [smem:$0x3FFC];
	_ =	sdelay $0x3  }
0x95: {  	_ =	strace s4  }
0x96: {  	s4 =	sld [smem:$0x3FFD];
	_ =	sdelay $0x3  }
0x97: {  	_ =	strace s4  }
0x98: {  	_ =	strace $0x8FFFFFFF  }
0x99: {  	s19 =	sld [smem:$0x3FDB];
	_ =	sdelay $0x1  }
0x9a: {  	s5 =	simm.s32 $_scs_section_size  }
0x9b: {  	s6 =	simm.s32 $_size__tile_overlayer_lowered;
	s7 =	simm.s32 $_tile_overlayer_lowered  }
0x9c: {  	s22 =	simm.s32 $0x1BFF;
	s21 =	sshll.u32 s7, $0x1;
	s4 =	sadd.s32 s5, s19  }
0x9d: {  	s8 =	simm.s32 $0x0;
	s20 =	sshll.u32 s6, $0x1;
	s6 =	sadd.s32 s21, s4  }
0x9e: {  	[timem:s8], [sflag:s22] =	dma.local [hbm:s6], s20  }
0x9f: {  	_ =	swait.ge [sflag:s22], s20  }
0xa0: {  	s5 =	ssub.s32 $0x0, s20;
	[sflag:s22] =	ssyncset.done $0x0  }
0xa1: {  	[sflag:s22] =	ssyncadd.s32 s5;
	_ =	sdelay $0x1  }
0xa2: {  	s23 =	simm.s32 $0x1B8B  }
0xa3: {  	_ =	swait.ge [sflag:s23], $0x1  }
0xa4: {  	[sflag:s23] =	ssyncset.done $0x0  }
0xa5: {  	s25 =	simm.s32 $0x1B8E;
	s24 =	sld [smem:$0x3FFE];
	[sflag:s23] =	ssyncadd.s32 $0xFFFFFFFF  }
0xa6: {  	s26 =	simm.s32 $execute0_lowered;
	[smem:$0x3FD2] =	sst s25  }
0xa7: {  	s6 =	sshll.u32 s26, $0x1;
	_ =	strace $0x80000046;
	[dreg:$0x1] =	wrdreg $0xFFFFFFFF  }
0xa8: {  	s28 =	simm.s32 $_size_execute0_lowered;
	s4 =	sadd.s32 s4, s6;
	[dreg:$0x0] =	wrdreg $0x0  }
0xa9: {  	s6 =	sshll.u32 s28, $0x1;
	[dreg:$0x2] =	wrdreg s4  }
0xaa: {  	[dreg:$0x3] =	wrdreg s6  }
0xab: {  	[dreg:$0x4] =	wrdreg $0xC0  }
0xac: {  	_ =	task [dreg:s8], $0x5FFFF  }
0xad: {  	[dreg:$0x1] =	wrdreg $0xFFFFFFFF  }
0xae: {  	[dreg:$0x0] =	wrdreg $0x60  }
0xaf: {  	[dreg:$0x2] =	wrdreg s18  }
0xb0: {  	[dreg:$0x3] =	wrdreg s2  }
0xb1: {  	[dreg:$0x4] =	wrdreg s24  }
0xb2: {  	[dreg:$0x5] =	wrdreg $0x9  }
0xb3: {  	_ =	task.clear_ibuf [dreg:s8], $0x6FFFF;
	_ =	strace $0x90000046  }
0xb4: {  	s29 =	simm.s32 $0x9;
	_ =	strace $0x80000048  }
0xb5: {  	_ =	swait.ge [sflag:s29], $0x1  }
0xb6: {  	[sflag:s29] =	ssyncadd.s32 $0xFFFFFFFF  }
0xb7: {  	_ =	strace $0x90000048  }
0xb8: {  	_ =	sfence  }
0xb9: {  	s30 =	sld [smem:$0x0];
	_ =	sdelay $0x2  }
0xba: {  	s31 =	sshll.u32 s1, $0xD;
	s1 =	sshrl.u32 s1, $0x2  }
0xbb: {  	s3 =	sand.u32 $0x4000, s31;
	s1 =	sadd.s32 s1, s30  }
0xbc: {  	s0 =	sor.u32 s3, s0;
	s1 =	sshll.u32 s1, $0x11  }
0xbd: {  	s0 =	sor.u32 s1, s0  }
0xbe: {  	s0 =	sadd.s32 $0x8F2B, s0  }
0xbf: {  	[sflag:s0] =	ssyncadd.remote.s32 $0x1  }
0xc0: {  	_ =	sfence.sel $0xFFFF  }
0xc1: {  	[dreg:$0x0] =	wrdreg $0xFFFFFFFF;
	(pc) =	sbr.abs _section_cstart, $3  }
0xc2: {  	[dreg:$0x1] =	wrdreg $0xFFFFFFFF  }
0xc3: {  	_ =	task.clear_ibuf [dreg:s8], $0x2FFFF;
	_ =	strace $0x9FFFFFFF  }
0xc4: {  	(tm) =	ssettm $0x7FFFFFFF  }
0xc5: {  	_ =	shalt  }
tec
execute0_lowered:
.L_overlay_start_1:
0x0: {  	(tag) =	ssettag $0x1  }
0x1: {  	s4 =	rddreg [dreg:$0x0]  }
0x2: {  	s1 =	srdreg.scid;
	s0 =	stileid.u32  }
0x3: {  	s2 =	rddreg [dreg:$0x1];
	s1 =	sand.u32 $0x1, s1;
	s6 =	sshll.u32 s0, $0x1  }
0x4: {  	s5 =	rddreg [dreg:$0x2];
	s6 =	sor.u32 s1, s6  }
0x5: {  	s3 =	simm.s32 $0x0;
	s7 =	sshll.u32 s6, $0xF;
	s6 =	sshll.u32 s6, $0x8  }
0x6: {  	[smem:$0x7FF] =	sst s3;
	s31 =	sadd.s32 s7, s5;
	s4 =	sadd.s32 s4, s6  }
0x7: {  	_ =	strace $0x80000047;
	[dreg:$0x4] =	wrdreg s4;
	s17 =	sadd.s32 $0xE00, s31  }
0x8: {  	s18 =	sadd.s32 $0x1600, s31;
	[dreg:$0x5] =	wrdreg s17  }
0x9: {  	s19 =	sadd.s32 $0x1E00, s31;
	[dreg:$0x6] =	wrdreg s18  }
0xa: {  	s20 =	sadd.s32 $0x2600, s31;
	[dreg:$0x7] =	wrdreg s19  }
0xb: {  	s21 =	sadd.s32 $0x2E00, s31;
	[dreg:$0x8] =	wrdreg s20  }
0xc: {  	s22 =	sadd.s32 $0x3600, s31;
	[dreg:$0x9] =	wrdreg s21  }
0xd: {  	s23 =	sadd.s32 $0x3E00, s31;
	[dreg:$0xa] =	wrdreg s22  }
0xe: {  	[dreg:$0xb] =	wrdreg s23  }
0xf: {  	s24 =	sadd.s32 $0x4600, s31;
	s25 =	rddreg [dreg:$0x4]  }
0x10: {  	s26 =	sadd.s32 $0x4E00, s31;
	[dreg:$0xc] =	wrdreg s24  }
0x11: {  	s4 =	simm.s32 $0x3;
	[dreg:$0xd] =	wrdreg s26  }
0x12: {  	[tilespmem:s3], [sflag:$0x3] =	stream.linear.gather [hbm4b:s25+s3], $0x800, $0x38;
	[tilespmem:$0x8800] =	vst v63  }
0x13: {  	_ =	swait.ge [sflag:s4], $0x800  }
0x14: {  	[sflag:s4] =	ssyncset.done $0x0  }
0x15: {  	s5 =	simm.s32 $0x80;
	s6 =	simm.s32 $0x800;
	[sflag:s4] =	ssyncadd.s32 $0xFFFFF800  }
0x16: {  	[tilespmem:s6], [sflag:$0x1] =	stream.indirect.gather [hbm4b:s2+s5], $0x80, s3, s5, $0xb8;
	[tilespmem:$0x8800] =	vst v63  }
0x17: {  	s8 =	simm.s32 $0x1;
	s7 =	simm.s32 $0x4800  }
0x18: {  	[tilespmem:s7], [sflag:$0x2] =	stream.indirect.gather [hbm4b:s2+s5], $0x80, s5, s5, $0xb8;
	[tilespmem:$0x8800] =	vst v63  }
0x19: {  	_ =	swait.ge [sflag:s8], $0x4000  }
0x1a: {  	[sflag:s8] =	ssyncset.done $0x0  }
0x1b: {  	s9 =	rddreg [dreg:$0x5];
	[sflag:s8] =	ssyncadd.s32 $0xFFFFC000  }
0x1c: {  	[hbm4b:s9+s3] =	stream.linear.scatter [tilespmem:s6], [sflag:$0x3], $0x4000, $0x38;
	[tilespmem:$0x8800] =	vst v63  }
0x1d: {  	_ =	swait.ge [sflag:s4], $0x4000  }
0x1e: {  	[sflag:s4] =	ssyncset.done $0x0  }
0x1f: {  	s10 =	simm.s32 $0x2;
	s9 =	simm.s32 $0x100;
	[sflag:s4] =	ssyncadd.s32 $0xFFFFC000  }
0x20: {  	[tilespmem:s6], [sflag:$0x1] =	stream.indirect.gather [hbm4b:s2+s5], $0x80, s9, s5, $0xb8;
	[tilespmem:$0x8800] =	vst v63  }
0x21: {  	_ =	swait.ge [sflag:s10], $0x4000  }
0x22: {  	[sflag:s10] =	ssyncset.done $0x0  }
0x23: {  	s11 =	rddreg [dreg:$0x6];
	[sflag:s10] =	ssyncadd.s32 $0xFFFFC000  }
0x24: {  	[hbm4b:s11+s3] =	stream.linear.scatter [tilespmem:s7], [sflag:$0x3], $0x4000, $0x38;
	[tilespmem:$0x8800] =	vst v63  }
0x25: {  	_ =	swait.ge [sflag:s4], $0x4000  }
0x26: {  	[sflag:s4] =	ssyncset.done $0x0  }
0x27: {  	s11 =	simm.s32 $0x180;
	[sflag:s4] =	ssyncadd.s32 $0xFFFFC000  }
0x28: {  	[tilespmem:s7], [sflag:$0x2] =	stream.indirect.gather [hbm4b:s2+s5], $0x80, s11, s5, $0xb8;
	[tilespmem:$0x8800] =	vst v63  }
0x29: {  	_ =	swait.ge [sflag:s8], $0x4000  }
0x2a: {  	[sflag:s8] =	ssyncset.done $0x0  }
0x2b: {  	s12 =	rddreg [dreg:$0x7];
	[sflag:s8] =	ssyncadd.s32 $0xFFFFC000  }
0x2c: {  	[hbm4b:s12+s3] =	stream.linear.scatter [tilespmem:s6], [sflag:$0x3], $0x4000, $0x38;
	[tilespmem:$0x8800] =	vst v63  }
0x2d: {  	_ =	swait.ge [sflag:s4], $0x4000  }
0x2e: {  	[sflag:s4] =	ssyncset.done $0x0  }
0x2f: {  	s12 =	simm.s32 $0x200;
	[sflag:s4] =	ssyncadd.s32 $0xFFFFC000  }
0x30: {  	[tilespmem:s6], [sflag:$0x1] =	stream.indirect.gather [hbm4b:s2+s5], $0x80, s12, s5, $0xb8;
	[tilespmem:$0x8800] =	vst v63  }
0x31: {  	_ =	swait.ge [sflag:s10], $0x4000  }
0x32: {  	[sflag:s10] =	ssyncset.done $0x0  }
0x33: {  	s13 =	rddreg [dreg:$0x8];
	[sflag:s10] =	ssyncadd.s32 $0xFFFFC000  }
0x34: {  	[hbm4b:s13+s3] =	stream.linear.scatter [tilespmem:s7], [sflag:$0x3], $0x4000, $0x38;
	[tilespmem:$0x8800] =	vst v63  }
0x35: {  	_ =	swait.ge [sflag:s4], $0x4000  }
0x36: {  	[sflag:s4] =	ssyncset.done $0x0  }
0x37: {  	s13 =	simm.s32 $0x280;
	[sflag:s4] =	ssyncadd.s32 $0xFFFFC000  }
0x38: {  	[tilespmem:s7], [sflag:$0x2] =	stream.indirect.gather [hbm4b:s2+s5], $0x80, s13, s5, $0xb8;
	[tilespmem:$0x8800] =	vst v63  }
0x39: {  	_ =	swait.ge [sflag:s8], $0x4000  }
0x3a: {  	[sflag:s8] =	ssyncset.done $0x0  }
0x3b: {  	s14 =	rddreg [dreg:$0x9];
	[sflag:s8] =	ssyncadd.s32 $0xFFFFC000  }
0x3c: {  	[hbm4b:s14+s3] =	stream.linear.scatter [tilespmem:s6], [sflag:$0x3], $0x4000, $0x38;
	[tilespmem:$0x8800] =	vst v63  }
0x3d: {  	_ =	swait.ge [sflag:s4], $0x4000  }
0x3e: {  	[sflag:s4] =	ssyncset.done $0x0  }
0x3f: {  	s14 =	simm.s32 $0x300;
	[sflag:s4] =	ssyncadd.s32 $0xFFFFC000  }
0x40: {  	[tilespmem:s6], [sflag:$0x1] =	stream.indirect.gather [hbm4b:s2+s5], $0x80, s14, s5, $0xb8;
	[tilespmem:$0x8800] =	vst v63  }
0x41: {  	_ =	swait.ge [sflag:s10], $0x4000  }
0x42: {  	[sflag:s10] =	ssyncset.done $0x0  }
0x43: {  	s15 =	rddreg [dreg:$0xa];
	[sflag:s10] =	ssyncadd.s32 $0xFFFFC000  }
0x44: {  	[hbm4b:s15+s3] =	stream.linear.scatter [tilespmem:s7], [sflag:$0x3], $0x4000, $0x38;
	[tilespmem:$0x8800] =	vst v63  }
0x45: {  	_ =	swait.ge [sflag:s4], $0x4000  }
0x46: {  	[sflag:s4] =	ssyncset.done $0x0  }
0x47: {  	s15 =	simm.s32 $0x380;
	[sflag:s4] =	ssyncadd.s32 $0xFFFFC000  }
0x48: {  	[tilespmem:s7], [sflag:$0x2] =	stream.indirect.gather [hbm4b:s2+s5], $0x80, s15, s5, $0xb8;
	[tilespmem:$0x8800] =	vst v63  }
0x49: {  	_ =	swait.ge [sflag:s8], $0x4000  }
0x4a: {  	[sflag:s8] =	ssyncset.done $0x0  }
0x4b: {  	s16 =	rddreg [dreg:$0xb];
	[sflag:s8] =	ssyncadd.s32 $0xFFFFC000  }
0x4c: {  	[hbm4b:s16+s3] =	stream.linear.scatter [tilespmem:s6], [sflag:$0x3], $0x4000, $0x38;
	[tilespmem:$0x8800] =	vst v63  }
0x4d: {  	_ =	swait.ge [sflag:s4], $0x4000  }
0x4e: {  	[sflag:s4] =	ssyncset.done $0x0  }
0x4f: {  	s16 =	simm.s32 $0x400;
	[sflag:s4] =	ssyncadd.s32 $0xFFFFC000  }
0x50: {  	[tilespmem:s6], [sflag:$0x1] =	stream.indirect.gather [hbm4b:s2+s5], $0x80, s16, s5, $0xb8;
	[tilespmem:$0x8800] =	vst v63  }
0x51: {  	_ =	swait.ge [sflag:s10], $0x4000  }
0x52: {  	[sflag:s10] =	ssyncset.done $0x0  }
0x53: {  	s17 =	rddreg [dreg:$0xc];
	[sflag:s10] =	ssyncadd.s32 $0xFFFFC000  }
0x54: {  	[hbm4b:s17+s3] =	stream.linear.scatter [tilespmem:s7], [sflag:$0x3], $0x4000, $0x38;
	[tilespmem:$0x8800] =	vst v63  }
0x55: {  	_ =	swait.ge [sflag:s4], $0x4000  }
0x56: {  	[sflag:s4] =	ssyncset.done $0x0  }
0x57: {  	s17 =	simm.s32 $0x480;
	[sflag:s4] =	ssyncadd.s32 $0xFFFFC000  }
0x58: {  	[tilespmem:s7], [sflag:$0x2] =	stream.indirect.gather [hbm4b:s2+s5], $0x80, s17, s5, $0xb8;
	[tilespmem:$0x8800] =	vst v63  }
0x59: {  	_ =	swait.ge [sflag:s8], $0x4000  }
0x5a: {  	[sflag:s8] =	ssyncset.done $0x0  }
0x5b: {  	s18 =	rddreg [dreg:$0xd];
	[sflag:s8] =	ssyncadd.s32 $0xFFFFC000  }
0x5c: {  	[hbm4b:s18+s3] =	stream.linear.scatter [tilespmem:s6], [sflag:$0x3], $0x4000, $0x38;
	[tilespmem:$0x8800] =	vst v63  }
0x5d: {  	_ =	swait.ge [sflag:s4], $0x4000  }
0x5e: {  	[sflag:s4] =	ssyncset.done $0x0  }
0x5f: {  	s18 =	simm.s32 $0x500;
	[sflag:s4] =	ssyncadd.s32 $0xFFFFC000  }
0x60: {  	[tilespmem:s6], [sflag:$0x1] =	stream.indirect.gather [hbm4b:s2+s5], $0x80, s18, s5, $0xb8;
	[tilespmem:$0x8800] =	vst v63  }
0x61: {  	_ =	swait.ge [sflag:s10], $0x4000  }
0x62: {  	[sflag:s10] =	ssyncset.done $0x0  }
0x63: {  	s19 =	sadd.s32 $0x5600, s31;
	[sflag:s10] =	ssyncadd.s32 $0xFFFFC000  }
0x64: {  	[hbm4b:s19+s3] =	stream.linear.scatter [tilespmem:s7], [sflag:$0x3], $0x4000, $0x38;
	[tilespmem:$0x8800] =	vst v63  }
0x65: {  	_ =	swait.ge [sflag:s4], $0x4000  }
0x66: {  	[sflag:s4] =	ssyncset.done $0x0  }
0x67: {  	s20 =	simm.s32 $0x580;
	[sflag:s4] =	ssyncadd.s32 $0xFFFFC000  }
0x68: {  	[tilespmem:s7], [sflag:$0x2] =	stream.indirect.gather [hbm4b:s2+s5], $0x80, s20, s5, $0xb8;
	[tilespmem:$0x8800] =	vst v63  }
0x69: {  	_ =	swait.ge [sflag:s8], $0x4000  }
0x6a: {  	[sflag:s8] =	ssyncset.done $0x0  }
0x6b: {  	s21 =	sadd.s32 $0x5E00, s31;
	[sflag:s8] =	ssyncadd.s32 $0xFFFFC000  }
0x6c: {  	[hbm4b:s21+s3] =	stream.linear.scatter [tilespmem:s6], [sflag:$0x3], $0x4000, $0x38;
	[tilespmem:$0x8800] =	vst v63  }
0x6d: {  	_ =	swait.ge [sflag:s4], $0x4000  }
0x6e: {  	[sflag:s4] =	ssyncset.done $0x0  }
0x6f: {  	s22 =	simm.s32 $0x600;
	[sflag:s4] =	ssyncadd.s32 $0xFFFFC000  }
0x70: {  	[tilespmem:s6], [sflag:$0x1] =	stream.indirect.gather [hbm4b:s2+s5], $0x80, s22, s5, $0xb8;
	[tilespmem:$0x8800] =	vst v63  }
0x71: {  	_ =	swait.ge [sflag:s10], $0x4000  }
0x72: {  	[sflag:s10] =	ssyncset.done $0x0  }
0x73: {  	s23 =	sadd.s32 $0x6600, s31;
	[sflag:s10] =	ssyncadd.s32 $0xFFFFC000  }
0x74: {  	[hbm4b:s23+s3] =	stream.linear.scatter [tilespmem:s7], [sflag:$0x3], $0x4000, $0x38;
	[tilespmem:$0x8800] =	vst v63  }
0x75: {  	_ =	swait.ge [sflag:s4], $0x4000  }
0x76: {  	[sflag:s4] =	ssyncset.done $0x0  }
0x77: {  	s24 =	simm.s32 $0x680;
	[sflag:s4] =	ssyncadd.s32 $0xFFFFC000  }
0x78: {  	[tilespmem:s7], [sflag:$0x2] =	stream.indirect.gather [hbm4b:s2+s5], $0x80, s24, s5, $0xb8;
	[tilespmem:$0x8800] =	vst v63  }
0x79: {  	_ =	swait.ge [sflag:s8], $0x4000  }
0x7a: {  	[sflag:s8] =	ssyncset.done $0x0  }
0x7b: {  	s25 =	sadd.s32 $0x6E00, s31;
	[sflag:s8] =	ssyncadd.s32 $0xFFFFC000  }
0x7c: {  	[hbm4b:s25+s3] =	stream.linear.scatter [tilespmem:s6], [sflag:$0x3], $0x4000, $0x38;
	[tilespmem:$0x8800] =	vst v63  }
0x7d: {  	_ =	swait.ge [sflag:s4], $0x4000  }
0x7e: {  	[sflag:s4] =	ssyncset.done $0x0  }
0x7f: {  	s26 =	simm.s32 $0x700;
	[sflag:s4] =	ssyncadd.s32 $0xFFFFC000  }
0x80: {  	[tilespmem:s6], [sflag:$0x1] =	stream.indirect.gather [hbm4b:s2+s5], $0x80, s26, s5, $0xb8;
	[tilespmem:$0x8800] =	vst v63  }
0x81: {  	_ =	swait.ge [sflag:s10], $0x4000  }
0x82: {  	[sflag:s10] =	ssyncset.done $0x0  }
0x83: {  	s28 =	sadd.s32 $0x7600, s31;
	[sflag:s10] =	ssyncadd.s32 $0xFFFFC000  }
0x84: {  	[hbm4b:s28+s3] =	stream.linear.scatter [tilespmem:s7], [sflag:$0x3], $0x4000, $0x38;
	[tilespmem:$0x8800] =	vst v63  }
0x85: {  	_ =	swait.ge [sflag:s4], $0x4000  }
0x86: {  	[sflag:s4] =	ssyncset.done $0x0  }
0x87: {  	s29 =	simm.s32 $0x780;
	[sflag:s4] =	ssyncadd.s32 $0xFFFFC000  }
0x88: {  	[tilespmem:s7], [sflag:$0x2] =	stream.indirect.gather [hbm4b:s2+s5], $0x80, s29, s5, $0xb8;
	[tilespmem:$0x8800] =	vst v63  }
0x89: {  	_ =	swait.ge [sflag:s8], $0x4000  }
0x8a: {  	s1 =	ssub.s32 $0x2, s1;
	[sflag:s8] =	ssyncset.done $0x0  }
0x8b: {  	s0 =	sshrl.u32 s1, $0x1;
	s30 =	sadd.s32 $0x7E00, s31;
	[sflag:s8] =	ssyncadd.s32 $0xFFFFC000  }
0x8c: {  	[hbm4b:s30+s3] =	stream.linear.scatter [tilespmem:s6], [sflag:$0x3], $0x4000, $0x38;
	[tilespmem:$0x8800] =	vst v63  }
0x8d: {  	s0 =	ssub.s32 s1, s0;
	_ =	swait.ge [sflag:s4], $0x4000  }
0x8e: {  	s0 =	smax.u32 s0, $0x1;
	[sflag:s4] =	ssyncset.done $0x0  }
0x8f: {  	p0 =	sne.s32 s0, $0x1;
	[sflag:s4] =	ssyncadd.s32 $0xFFFFC000  }
.Ltmp0:
0x90: {  	_ =	swait.ge [sflag:s10], $0x4000;
	(pc) =	sbr.rel @!p0 .LBB2_2-.Ltmp0, $4  }
0x91: {  	[sflag:s10] =	ssyncset.done $0x0  }
0x92: {  	s31 =	sadd.s32 $0x8600, s31;
	[sflag:s10] =	ssyncadd.s32 $0xFFFFC000  }
0x93: {  	[hbm4b:s31+s3] =	stream.linear.scatter [tilespmem:s7], [sflag:$0x3], $0x4000, $0x38;
	[tilespmem:$0x8800] =	vst v63  }
0x94: {  	s1 =	sadd.s32 $0xFFFFFFFF, s0;
	_ =	swait.ge [sflag:s4], $0x4000  }
.LBB2_1:
0x95: {  	[sflag:s4] =	ssyncset.done $0x0  }
0x96: {  	s0 =	rddreg [dreg:$0x4];
	[sflag:s4] =	ssyncadd.s32 $0xFFFFC000  }
0x97: {  	[tilespmem:s3], [sflag:$0x3] =	stream.linear.gather [hbm4b:s0+s3], $0x800, $0x38;
	[tilespmem:$0x8800] =	vst v63  }
0x98: {  	_ =	swait.ge [sflag:s4], $0x800  }
0x99: {  	[sflag:s4] =	ssyncset.done $0x0  }
0x9a: {  	[sflag:s4] =	ssyncadd.s32 $0xFFFFF800  }
0x9b: {  	[tilespmem:s6], [sflag:$0x1] =	stream.indirect.gather [hbm4b:s2+s5], $0x80, s3, s5, $0xb8;
	[tilespmem:$0x8800] =	vst v63  }
0x9c: {  	_ = 	snop  }
0x9d: {  	[tilespmem:s7], [sflag:$0x2] =	stream.indirect.gather [hbm4b:s2+s5], $0x80, s5, s5, $0xb8;
	[tilespmem:$0x8800] =	vst v63  }
0x9e: {  	_ =	swait.ge [sflag:s8], $0x4000  }
0x9f: {  	[sflag:s8] =	ssyncset.done $0x0  }
0xa0: {  	s0 =	rddreg [dreg:$0x5];
	[sflag:s8] =	ssyncadd.s32 $0xFFFFC000  }
0xa1: {  	[hbm4b:s0+s3] =	stream.linear.scatter [tilespmem:s6], [sflag:$0x3], $0x4000, $0x38;
	[tilespmem:$0x8800] =	vst v63  }
0xa2: {  	_ =	swait.ge [sflag:s4], $0x4000  }
0xa3: {  	[sflag:s4] =	ssyncset.done $0x0  }
0xa4: {  	[sflag:s4] =	ssyncadd.s32 $0xFFFFC000  }
0xa5: {  	[tilespmem:s6], [sflag:$0x1] =	stream.indirect.gather [hbm4b:s2+s5], $0x80, s9, s5, $0xb8;
	[tilespmem:$0x8800] =	vst v63  }
0xa6: {  	_ =	swait.ge [sflag:s10], $0x4000  }
0xa7: {  	[sflag:s10] =	ssyncset.done $0x0  }
0xa8: {  	s0 =	rddreg [dreg:$0x6];
	[sflag:s10] =	ssyncadd.s32 $0xFFFFC000  }
0xa9: {  	[hbm4b:s0+s3] =	stream.linear.scatter [tilespmem:s7], [sflag:$0x3], $0x4000, $0x38;
	[tilespmem:$0x8800] =	vst v63  }
0xaa: {  	_ =	swait.ge [sflag:s4], $0x4000  }
0xab: {  	[sflag:s4] =	ssyncset.done $0x0  }
0xac: {  	[sflag:s4] =	ssyncadd.s32 $0xFFFFC000  }
0xad: {  	[tilespmem:s7], [sflag:$0x2] =	stream.indirect.gather [hbm4b:s2+s5], $0x80, s11, s5, $0xb8;
	[tilespmem:$0x8800] =	vst v63  }
0xae: {  	_ =	swait.ge [sflag:s8], $0x4000  }
0xaf: {  	[sflag:s8] =	ssyncset.done $0x0  }
0xb0: {  	s0 =	rddreg [dreg:$0x7];
	[sflag:s8] =	ssyncadd.s32 $0xFFFFC000  }
0xb1: {  	[hbm4b:s0+s3] =	stream.linear.scatter [tilespmem:s6], [sflag:$0x3], $0x4000, $0x38;
	[tilespmem:$0x8800] =	vst v63  }
0xb2: {  	_ =	swait.ge [sflag:s4], $0x4000  }
0xb3: {  	[sflag:s4] =	ssyncset.done $0x0  }
0xb4: {  	[sflag:s4] =	ssyncadd.s32 $0xFFFFC000  }
0xb5: {  	[tilespmem:s6], [sflag:$0x1] =	stream.indirect.gather [hbm4b:s2+s5], $0x80, s12, s5, $0xb8;
	[tilespmem:$0x8800] =	vst v63  }
0xb6: {  	_ =	swait.ge [sflag:s10], $0x4000  }
0xb7: {  	[sflag:s10] =	ssyncset.done $0x0  }
0xb8: {  	s0 =	rddreg [dreg:$0x8];
	[sflag:s10] =	ssyncadd.s32 $0xFFFFC000  }
0xb9: {  	[hbm4b:s0+s3] =	stream.linear.scatter [tilespmem:s7], [sflag:$0x3], $0x4000, $0x38;
	[tilespmem:$0x8800] =	vst v63  }
0xba: {  	_ =	swait.ge [sflag:s4], $0x4000  }
0xbb: {  	[sflag:s4] =	ssyncset.done $0x0  }
0xbc: {  	[sflag:s4] =	ssyncadd.s32 $0xFFFFC000  }
0xbd: {  	[tilespmem:s7], [sflag:$0x2] =	stream.indirect.gather [hbm4b:s2+s5], $0x80, s13, s5, $0xb8;
	[tilespmem:$0x8800] =	vst v63  }
0xbe: {  	_ =	swait.ge [sflag:s8], $0x4000  }
0xbf: {  	[sflag:s8] =	ssyncset.done $0x0  }
0xc0: {  	s0 =	rddreg [dreg:$0x9];
	[sflag:s8] =	ssyncadd.s32 $0xFFFFC000  }
0xc1: {  	[hbm4b:s0+s3] =	stream.linear.scatter [tilespmem:s6], [sflag:$0x3], $0x4000, $0x38;
	[tilespmem:$0x8800] =	vst v63  }
0xc2: {  	_ =	swait.ge [sflag:s4], $0x4000  }
0xc3: {  	[sflag:s4] =	ssyncset.done $0x0  }
0xc4: {  	[sflag:s4] =	ssyncadd.s32 $0xFFFFC000  }
0xc5: {  	[tilespmem:s6], [sflag:$0x1] =	stream.indirect.gather [hbm4b:s2+s5], $0x80, s14, s5, $0xb8;
	[tilespmem:$0x8800] =	vst v63  }
0xc6: {  	_ =	swait.ge [sflag:s10], $0x4000  }
0xc7: {  	[sflag:s10] =	ssyncset.done $0x0  }
0xc8: {  	s0 =	rddreg [dreg:$0xa];
	[sflag:s10] =	ssyncadd.s32 $0xFFFFC000  }
0xc9: {  	[hbm4b:s0+s3] =	stream.linear.scatter [tilespmem:s7], [sflag:$0x3], $0x4000, $0x38;
	[tilespmem:$0x8800] =	vst v63  }
0xca: {  	_ =	swait.ge [sflag:s4], $0x4000  }
0xcb: {  	[sflag:s4] =	ssyncset.done $0x0  }
0xcc: {  	[sflag:s4] =	ssyncadd.s32 $0xFFFFC000  }
0xcd: {  	[tilespmem:s7], [sflag:$0x2] =	stream.indirect.gather [hbm4b:s2+s5], $0x80, s15, s5, $0xb8;
	[tilespmem:$0x8800] =	vst v63  }
0xce: {  	_ =	swait.ge [sflag:s8], $0x4000  }
0xcf: {  	[sflag:s8] =	ssyncset.done $0x0  }
0xd0: {  	s0 =	rddreg [dreg:$0xb];
	[sflag:s8] =	ssyncadd.s32 $0xFFFFC000  }
0xd1: {  	[hbm4b:s0+s3] =	stream.linear.scatter [tilespmem:s6], [sflag:$0x3], $0x4000, $0x38;
	[tilespmem:$0x8800] =	vst v63  }
0xd2: {  	_ =	swait.ge [sflag:s4], $0x4000  }
0xd3: {  	[sflag:s4] =	ssyncset.done $0x0  }
0xd4: {  	[sflag:s4] =	ssyncadd.s32 $0xFFFFC000  }
0xd5: {  	[tilespmem:s6], [sflag:$0x1] =	stream.indirect.gather [hbm4b:s2+s5], $0x80, s16, s5, $0xb8;
	[tilespmem:$0x8800] =	vst v63  }
0xd6: {  	_ =	swait.ge [sflag:s10], $0x4000  }
0xd7: {  	[sflag:s10] =	ssyncset.done $0x0  }
0xd8: {  	s0 =	rddreg [dreg:$0xc];
	[sflag:s10] =	ssyncadd.s32 $0xFFFFC000  }
0xd9: {  	[hbm4b:s0+s3] =	stream.linear.scatter [tilespmem:s7], [sflag:$0x3], $0x4000, $0x38;
	[tilespmem:$0x8800] =	vst v63  }
0xda: {  	_ =	swait.ge [sflag:s4], $0x4000  }
0xdb: {  	[sflag:s4] =	ssyncset.done $0x0  }
0xdc: {  	[sflag:s4] =	ssyncadd.s32 $0xFFFFC000  }
0xdd: {  	[tilespmem:s7], [sflag:$0x2] =	stream.indirect.gather [hbm4b:s2+s5], $0x80, s17, s5, $0xb8;
	[tilespmem:$0x8800] =	vst v63  }
0xde: {  	_ =	swait.ge [sflag:s8], $0x4000  }
0xdf: {  	[sflag:s8] =	ssyncset.done $0x0  }
0xe0: {  	s0 =	rddreg [dreg:$0xd];
	[sflag:s8] =	ssyncadd.s32 $0xFFFFC000  }
0xe1: {  	[hbm4b:s0+s3] =	stream.linear.scatter [tilespmem:s6], [sflag:$0x3], $0x4000, $0x38;
	[tilespmem:$0x8800] =	vst v63  }
0xe2: {  	_ =	swait.ge [sflag:s4], $0x4000  }
0xe3: {  	[sflag:s4] =	ssyncset.done $0x0  }
0xe4: {  	[sflag:s4] =	ssyncadd.s32 $0xFFFFC000  }
0xe5: {  	[tilespmem:s6], [sflag:$0x1] =	stream.indirect.gather [hbm4b:s2+s5], $0x80, s18, s5, $0xb8;
	[tilespmem:$0x8800] =	vst v63  }
0xe6: {  	_ =	swait.ge [sflag:s10], $0x4000  }
0xe7: {  	[sflag:s10] =	ssyncset.done $0x0  }
0xe8: {  	[sflag:s10] =	ssyncadd.s32 $0xFFFFC000  }
0xe9: {  	[hbm4b:s19+s3] =	stream.linear.scatter [tilespmem:s7], [sflag:$0x3], $0x4000, $0x38;
	[tilespmem:$0x8800] =	vst v63  }
0xea: {  	_ =	swait.ge [sflag:s4], $0x4000  }
0xeb: {  	[sflag:s4] =	ssyncset.done $0x0  }
0xec: {  	[sflag:s4] =	ssyncadd.s32 $0xFFFFC000  }
0xed: {  	[tilespmem:s7], [sflag:$0x2] =	stream.indirect.gather [hbm4b:s2+s5], $0x80, s20, s5, $0xb8;
	[tilespmem:$0x8800] =	vst v63  }
0xee: {  	_ =	swait.ge [sflag:s8], $0x4000  }
0xef: {  	[sflag:s8] =	ssyncset.done $0x0  }
0xf0: {  	[sflag:s8] =	ssyncadd.s32 $0xFFFFC000  }
0xf1: {  	[hbm4b:s21+s3] =	stream.linear.scatter [tilespmem:s6], [sflag:$0x3], $0x4000, $0x38;
	[tilespmem:$0x8800] =	vst v63  }
0xf2: {  	_ =	swait.ge [sflag:s4], $0x4000  }
0xf3: {  	[sflag:s4] =	ssyncset.done $0x0  }
0xf4: {  	[sflag:s4] =	ssyncadd.s32 $0xFFFFC000  }
0xf5: {  	[tilespmem:s6], [sflag:$0x1] =	stream.indirect.gather [hbm4b:s2+s5], $0x80, s22, s5, $0xb8;
	[tilespmem:$0x8800] =	vst v63  }
0xf6: {  	_ =	swait.ge [sflag:s10], $0x4000  }
0xf7: {  	[sflag:s10] =	ssyncset.done $0x0  }
0xf8: {  	[sflag:s10] =	ssyncadd.s32 $0xFFFFC000  }
0xf9: {  	[hbm4b:s23+s3] =	stream.linear.scatter [tilespmem:s7], [sflag:$0x3], $0x4000, $0x38;
	[tilespmem:$0x8800] =	vst v63  }
0xfa: {  	_ =	swait.ge [sflag:s4], $0x4000  }
0xfb: {  	[sflag:s4] =	ssyncset.done $0x0  }
0xfc: {  	[sflag:s4] =	ssyncadd.s32 $0xFFFFC000  }
0xfd: {  	[tilespmem:s7], [sflag:$0x2] =	stream.indirect.gather [hbm4b:s2+s5], $0x80, s24, s5, $0xb8;
	[tilespmem:$0x8800] =	vst v63  }
0xfe: {  	_ =	swait.ge [sflag:s8], $0x4000  }
0xff: {  	[sflag:s8] =	ssyncset.done $0x0  }
0x100: {  	[sflag:s8] =	ssyncadd.s32 $0xFFFFC000  }
0x101: {  	[hbm4b:s25+s3] =	stream.linear.scatter [tilespmem:s6], [sflag:$0x3], $0x4000, $0x38;
	[tilespmem:$0x8800] =	vst v63  }
0x102: {  	_ =	swait.ge [sflag:s4], $0x4000  }
0x103: {  	[sflag:s4] =	ssyncset.done $0x0  }
0x104: {  	[sflag:s4] =	ssyncadd.s32 $0xFFFFC000  }
0x105: {  	[tilespmem:s6], [sflag:$0x1] =	stream.indirect.gather [hbm4b:s2+s5], $0x80, s26, s5, $0xb8;
	[tilespmem:$0x8800] =	vst v63  }
0x106: {  	_ =	swait.ge [sflag:s10], $0x4000  }
0x107: {  	[sflag:s10] =	ssyncset.done $0x0  }
0x108: {  	[sflag:s10] =	ssyncadd.s32 $0xFFFFC000  }
0x109: {  	[hbm4b:s28+s3] =	stream.linear.scatter [tilespmem:s7], [sflag:$0x3], $0x4000, $0x38;
	[tilespmem:$0x8800] =	vst v63  }
0x10a: {  	_ =	swait.ge [sflag:s4], $0x4000  }
0x10b: {  	[sflag:s4] =	ssyncset.done $0x0  }
0x10c: {  	[sflag:s4] =	ssyncadd.s32 $0xFFFFC000  }
0x10d: {  	[tilespmem:s7], [sflag:$0x2] =	stream.indirect.gather [hbm4b:s2+s5], $0x80, s29, s5, $0xb8;
	[tilespmem:$0x8800] =	vst v63  }
0x10e: {  	_ =	swait.ge [sflag:s8], $0x4000  }
0x10f: {  	[sflag:s8] =	ssyncset.done $0x0  }
0x110: {  	[sflag:s8] =	ssyncadd.s32 $0xFFFFC000  }
0x111: {  	[hbm4b:s30+s3] =	stream.linear.scatter [tilespmem:s6], [sflag:$0x3], $0x4000, $0x38;
	[tilespmem:$0x8800] =	vst v63  }
0x112: {  	_ =	swait.ge [sflag:s4], $0x4000  }
0x113: {  	[sflag:s4] =	ssyncset.done $0x0  }
0x114: {  	p0 =	sne.s32 s1, $0x1;
	[sflag:s4] =	ssyncadd.s32 $0xFFFFC000  }
.Ltmp1:
0x115: {  	_ =	swait.ge [sflag:s10], $0x4000;
	(pc) =	sbr.rel @p0 .LBB2_1-.Ltmp1, $4  }
0x116: {  	[sflag:s10] =	ssyncset.done $0x0  }
0x117: {  	[sflag:s10] =	ssyncadd.s32 $0xFFFFC000  }
0x118: {  	[hbm4b:s31+s3] =	stream.linear.scatter [tilespmem:s7], [sflag:$0x3], $0x4000, $0x38;
	[tilespmem:$0x8800] =	vst v63  }
0x119: {  	s1 =	sadd.s32 $0xFFFFFFFF, s1;
	_ =	swait.ge [sflag:s4], $0x4000  }
.LBB2_2:
0x11a: {  	[sflag:s4] =	ssyncset.done $0x0  }
0x11b: {  	[sflag:s4] =	ssyncadd.s32 $0xFFFFC000  }
0x11c: {  	_ =	sfence.sel $0x180000  }
0x11d: {  	[bflag:$0x0] =	sbarrier.arrive $0xFFFF  }
0x11e: {  	_ =	strace $0x90000047  }
0x11f: {  	s0 =	stileid.u32;
	[bflag:$0x2] =	sbarrier.arrive $0xFFFF  }
0x120: {  	p0 =	sne.s32 s0, $0x0;
	s0 =	rddreg [dreg:$0x3]  }
0x121: {  	s0 =	sadd.s32 @!p0 $0x100000, s0  }
0x122: {  	[sflag:s0] =	ssyncadd.tile.s32 @!p0 $0x1;
	_ =	shalt  }
.Lfunc_end2:
_tile_overlayer_lowered:
.L_overlay_start_2:
0x123: {  	(tag) =	ssettag $0x2  }
0x124: {  	s0 =	rddreg [dreg:$0x0];
	s2 =	stileid.u32  }
0x125: {  	s1 =	rddreg [dreg:$0x1];
	p0 =	sne.s32 s2, $0x0  }
0x126: {  	s3 =	rddreg [dreg:$0x2];
	[bflag:$0x3] =	sbarrier.arrive $0xFFFF;
	s2 =	simm.s32 @!p0 $0x1C03  }
0x127: {  	[timem:s3], [sflag:s2] =	dma.local @!p0 [hbm:s0], s1  }
0x128: {  	s0 =	simm.s32 @!p0 $0x3  }
0x129: {  	_ =	swait.ge @!p0 [sflag:s0], s1  }
0x12a: {  	s1 =	ssub.s32 @!p0 $0x0, s1;
	[sflag:s0] =	ssyncset.done @!p0 $0x0  }
0x12b: {  	[sflag:s0] =	ssyncadd.s32 @!p0 s1  }
0x12c: {  	[bflag:$0x3] =	sbarrier.arrive $0xFFFF  }
0x12d: {  	_ =	shalt  }

</sc_bundles>
